<compile_context>
chip_gen: v7x
topology: tpu7x:2x2x1
jax: 0.10.2.dev20260603
libtpu: 0.0.44.dev20260713+nightly
codegen_flags: <defaults>
</compile_context>

<pallas_src>
import functools

import jax
import jax.numpy as jnp
from jax import lax
from jax.experimental import pallas as pl
from jax.experimental.pallas import tpu as pltpu
from jax.experimental.pallas import tpu_sc as plsc

_NC, _NS = 2, 16
_NW = _NC * _NS
_B = 4096
_D = 64
_N = 100000
_FPW = 4 * _D // _NW
_EPS = 1e-5
_L = 16


_H = 49920
_H1 = _N - _H


def _sc_gather_body(uid_hbm, iid_hbm, gu_t, mu_t, gi_t, mi_t,
                    out_hbm, idx_u, idx_i, buf0, buf1, out_v, sem0, sem1):
    wid = lax.axis_index("s") * _NC + lax.axis_index("c")
    _FPT = _D // _NW
    fbase = wid * _FPT
    pltpu.sync_copy(uid_hbm, idx_u)
    pltpu.sync_copy(iid_hbm, idx_i)

    tabs = ((gu_t, idx_u), (mu_t, idx_u), (gi_t, idx_i), (mi_t, idx_i))
    tasks = [(t, f, h) for t in range(4) for f in range(_FPT)
             for h in range(2)]
    bufs = (buf0, buf1)

    sems = (sem0, sem1)

    def fire(k):
        t, f, h = tasks[k]
        src = tabs[t][0].at[fbase + f,
                            pl.ds(h * _H, _H if h == 0 else _H1)]
        dst = bufs[k % 2].at[pl.ds(0, _H if h == 0 else _H1)]
        return pltpu.async_copy(src, dst, sems[k % 2])

    pending = fire(0)
    for k, (t, f, h) in enumerate(tasks):
        nxt = fire(k + 1) if k + 1 < len(tasks) else None
        pending.wait()
        pending = nxt
        idx_v = tabs[t][1]
        buf = bufs[k % 2]

        _U = 1
        if h == 0:
            def grp(g, c, idx_v=idx_v, buf=buf, out_v=out_v):
                sls = [pl.ds((g * _U + k) * _L, _L) for k in range(_U)]
                ivs = [idx_v[sl] for sl in sls]
                for k in range(_U):
                    m = ivs[k] < _H
                    out_v[sls[k]] = plsc.load_gather(buf, [ivs[k]], mask=m)
                return c
        else:
            def grp(g, c, idx_v=idx_v, buf=buf, out_v=out_v):
                sls = [pl.ds((g * _U + k) * _L, _L) for k in range(_U)]
                ivs = [idx_v[sl] for sl in sls]
                for k in range(_U):
                    m = ivs[k] >= _H
                    vals = plsc.load_gather(buf, [ivs[k] - _H], mask=m)
                    out_v[sls[k]] = jnp.where(m, vals, out_v[sls[k]])
                return c

        lax.fori_loop(0, _B // (_U * _L), grp, 0)
        if h == 1:
            pltpu.sync_copy(out_v, out_hbm.at[t * _D + fbase + f])


@jax.jit
def _sc_gather(user_ids, item_ids, gu_t, mu_t, gi_t, mi_t):
    mesh = plsc.VectorSubcoreMesh(core_axis_name="c", subcore_axis_name="s")
    f = pl.kernel(
        _sc_gather_body,
        out_type=jax.ShapeDtypeStruct((4 * _D, _B), jnp.float32),
        mesh=mesh,
        compiler_params=pltpu.CompilerParams(needs_layout_passes=False),
        scratch_types=[
            pltpu.VMEM((_B,), jnp.int32),
            pltpu.VMEM((_B,), jnp.int32),
            pltpu.VMEM((_H1,), jnp.float32),
            pltpu.VMEM((_H1,), jnp.float32),
            pltpu.VMEM((_B,), jnp.float32),
            pltpu.SemaphoreType.DMA,
            pltpu.SemaphoreType.DMA,
        ],
    )
    return f(user_ids, item_ids, gu_t, mu_t, gi_t, mi_t)


def _mlp_body(gu_ref, mu_ref, gi_ref, mi_ref,
              w1_ref, w2_ref, w3_ref,
              b1_ref, s1_ref, be1_ref, b2_ref, s2_ref, be2_ref,
              b3_ref, s3_ref, be3_ref, wog_ref, woh_ref, bo_ref,
              out_ref):
    cdim = (((1,), (0,)), ((), ()))
    w1 = w1_ref[...]
    h = lax.dot_general(w1[:, :_D], mu_ref[...], cdim,
                        preferred_element_type=jnp.float32)
    h = h + lax.dot_general(w1[:, _D:], mi_ref[...], cdim,
                            preferred_element_type=jnp.float32)
    h = jnp.maximum(h + b1_ref[...], 0.0) * s1_ref[...] + be1_ref[...]
    h = lax.dot_general(w2_ref[...], h, cdim,
                        preferred_element_type=jnp.float32)
    h = jnp.maximum(h + b2_ref[...], 0.0) * s2_ref[...] + be2_ref[...]
    h = lax.dot_general(w3_ref[...], h, cdim,
                        preferred_element_type=jnp.float32)
    h = jnp.maximum(h + b3_ref[...], 0.0) * s3_ref[...] + be3_ref[...]
    logit = (jnp.sum((gu_ref[...] * gi_ref[...]) * wog_ref[...], axis=0)
             + jnp.sum(h * woh_ref[...], axis=0) + bo_ref[0])
    out_ref[...] = jax.nn.sigmoid(logit)


@jax.jit
def _mlp_tower(bands, w1, w2, w3,
               b1, s1, be1, b2, s2, be2, b3, s3, be3, wog, woh, bo):
    nblk = 4
    cols = _B // nblk
    full = lambda i: (0, 0)
    band = lambda r: pl.BlockSpec((_D, cols), lambda i, r=r: (r, i))
    return pl.pallas_call(
        _mlp_body,
        grid=(nblk,),
        in_specs=[
            band(0), band(1), band(2), band(3),
            pl.BlockSpec((256, 128), full),
            pl.BlockSpec((128, 256), full), pl.BlockSpec((_D, 128), full),
            pl.BlockSpec((256, 1), full), pl.BlockSpec((256, 1), full),
            pl.BlockSpec((256, 1), full),
            pl.BlockSpec((128, 1), full), pl.BlockSpec((128, 1), full),
            pl.BlockSpec((128, 1), full),
            pl.BlockSpec((_D, 1), full), pl.BlockSpec((_D, 1), full),
            pl.BlockSpec((_D, 1), full),
            pl.BlockSpec((_D, 1), full), pl.BlockSpec((_D, 1), full),
            pl.BlockSpec(memory_space=pltpu.SMEM),
        ],
        out_specs=pl.BlockSpec((cols,), lambda i: (i,)),
        out_shape=jax.ShapeDtypeStruct((_B,), jnp.float32),
    )(bands, bands, bands, bands, w1, w2, w3,
      b1, s1, be1, b2, s2, be2, b3, s3, be3, wog, woh, bo)


def kernel(user_ids, item_ids, gmf_user_tab, gmf_item_tab, mlp_user_tab,
           mlp_item_tab, W1, b1, g1, be1, W2, b2, g2, be2, W3, b3, g3, be3,
           Wo, bo):
    user_ids = user_ids.astype(jnp.int32)
    item_ids = item_ids.astype(jnp.int32)
    bands = _sc_gather(user_ids, item_ids,
                       gmf_user_tab.T, mlp_user_tab.T,
                       gmf_item_tab.T, mlp_item_tab.T)
    inv = 1.0 / jnp.sqrt(1.0 + _EPS)
    col = lambda v: v.reshape(-1, 1)
    return _mlp_tower(
        bands, W1, W2, W3,
        col(b1), col(inv * g1), col(be1),
        col(b2), col(inv * g2), col(be2),
        col(b3), col(inv * g3), col(be3),
        col(Wo[0, :_D]), col(Wo[0, _D:]), bo)

# --- scband reference (transcript-rebuilt; emitter-appended) ---
"""Pipeline reference for scband-neu-mf-40492951667344 (READ-ONLY COPY).

The authoritative reference and input builder live on the scoring server;
editing this copy changes nothing except your own understanding.
"""

import jax, jax.numpy as jnp
import numpy as np

N_USERS = 100000
N_ITEMS = 100000
EMBED_DIM = 64
HIDDEN = [256, 128, 64]
BATCH = 4096
EPS = 1e-5


def _xavier(key, out_dim, in_dim):
    limit = float(np.sqrt(6.0 / (in_dim + out_dim)))
    return jax.random.uniform(key, (out_dim, in_dim), minval=-limit, maxval=limit, dtype=jnp.float32)


def setup_inputs(seed: int = 0) -> dict:
    key = jax.random.key(seed)
    ks = jax.random.split(key, 16)
    inp = {}
    inp["user_ids"] = jax.random.randint(ks[0], (BATCH,), 0, N_USERS)
    inp["item_ids"] = jax.random.randint(ks[1], (BATCH,), 0, N_ITEMS)
    inp["gmf_user_tab"] = 0.01 * jax.random.normal(ks[2], (N_USERS, EMBED_DIM), dtype=jnp.float32)
    inp["gmf_item_tab"] = 0.01 * jax.random.normal(ks[3], (N_ITEMS, EMBED_DIM), dtype=jnp.float32)
    inp["mlp_user_tab"] = 0.01 * jax.random.normal(ks[4], (N_USERS, EMBED_DIM), dtype=jnp.float32)
    inp["mlp_item_tab"] = 0.01 * jax.random.normal(ks[5], (N_ITEMS, EMBED_DIM), dtype=jnp.float32)
    dims = [2 * EMBED_DIM] + HIDDEN
    for i, (din, dout) in enumerate(zip(dims[:-1], dims[1:])):
        inp[f"W{i+1}"] = _xavier(ks[6 + i], dout, din)
        inp[f"b{i+1}"] = jnp.zeros((dout,), dtype=jnp.float32)
        inp[f"g{i+1}"] = jnp.ones((dout,), dtype=jnp.float32)
        inp[f"be{i+1}"] = jnp.zeros((dout,), dtype=jnp.float32)
    inp["Wo"] = _xavier(ks[10], 1, EMBED_DIM + HIDDEN[-1])
    inp["bo"] = jnp.zeros((1,), dtype=jnp.float32)
    return inp


def reference(user_ids, item_ids, gmf_user_tab, gmf_item_tab, mlp_user_tab, mlp_item_tab,
              W1, b1, g1, be1, W2, b2, g2, be2, W3, b3, g3, be3, Wo, bo):
    # GMF branch: embedding lookups + elementwise product
    gmf_u = jnp.take(gmf_user_tab, user_ids, axis=0)
    gmf_i = jnp.take(gmf_item_tab, item_ids, axis=0)
    gmf_out = gmf_u * gmf_i
    # MLP branch: embedding lookups + concat + MLP (Linear -> ReLU -> BN(eval) -> Dropout(eval=identity))
    mlp_u = jnp.take(mlp_user_tab, user_ids, axis=0)
    mlp_i = jnp.take(mlp_item_tab, item_ids, axis=0)
    h = jnp.concatenate([mlp_u, mlp_i], axis=-1)
    inv = 1.0 / jnp.sqrt(1.0 + EPS)  # BN eval with init running stats (mean=0, var=1)
    for (W, b, g, be) in ((W1, b1, g1, be1), (W2, b2, g2, be2), (W3, b3, g3, be3)):
        h = h @ W.T + b
        h = jnp.maximum(h, 0.0)
        h = h * inv * g + be
    concat = jnp.concatenate([gmf_out, h], axis=-1)
    logit = concat @ Wo.T + bo
    return jax.nn.sigmoid(logit).squeeze(-1)

if __name__ == "__main__":
    import jax
    _d = setup_inputs()
    print(jax.jit(kernel)(*tuple(_d.values())))

</pallas_src>

<mosaic_0001>
#map = affine_map<(d0, d1) -> (0)>
#map1 = affine_map<(d0, d1) -> (0, 0)>
module attributes {stable_mosaic.version = 14 : i64} {
  func.func @_sc_gather_body(%arg0: i32, %arg1: i32, %arg2: memref<4096xi32, #tpu.memory_space<hbm>>, %arg3: memref<4096xi32, #tpu.memory_space<hbm>>, %arg4: memref<64x100000xf32, #tpu.memory_space<hbm>>, %arg5: memref<64x100000xf32, #tpu.memory_space<hbm>>, %arg6: memref<64x100000xf32, #tpu.memory_space<hbm>>, %arg7: memref<64x100000xf32, #tpu.memory_space<hbm>>, %arg8: memref<256x4096xf32, #tpu.memory_space<hbm>>, %arg9: memref<4096xi32, #tpu.memory_space<vmem>>, %arg10: memref<4096xi32, #tpu.memory_space<vmem>>, %arg11: memref<50080xf32, #tpu.memory_space<vmem>>, %arg12: memref<50080xf32, #tpu.memory_space<vmem>>, %arg13: memref<4096xf32, #tpu.memory_space<vmem>>, %arg14: memref<!tpu.dma_semaphore, #tpu.memory_space<semaphore_mem>>, %arg15: memref<!tpu.dma_semaphore, #tpu.memory_space<semaphore_mem>>) attributes {dimension_semantics = [#tpu.dimension_semantics<core_parallel>, #tpu.dimension_semantics<subcore_parallel>], iteration_bounds = array<i64: 2, 16>, scalar_prefetch = 0 : i64, scratch_operands = 7 : i64, tpu.core_type = #tpu.core_type<sc_vector_subcore>, window_params = [{transform_indices = #map}, {transform_indices = #map}, {transform_indices = #map1}, {transform_indices = #map1}, {transform_indices = #map1}, {transform_indices = #map1}, {transform_indices = #map1}]} {
    %mul3A = arith.constant 2 : i32
    %mul3A_0 = arith.muli %arg1, %mul3A : i32
    %add3A = arith.addi %mul3A_0, %arg0 : i32
    %mul3A_1 = arith.constant 2 : i32
    %mul3A_2 = arith.muli %add3A, %mul3A_1 : i32
    "tpu.region"() ({
      %run_scoped3A = tpu.sem_alloc : memref<!tpu.dma_semaphore, #tpu.memory_space<semaphore_mem>>
      tpu.enqueue_dma source(%arg2 : memref<4096xi32, #tpu.memory_space<hbm>>) target(%arg9 : memref<4096xi32, #tpu.memory_space<vmem>>) target_semaphore(%run_scoped3A : memref<!tpu.dma_semaphore, #tpu.memory_space<semaphore_mem>>)
      tpu.wait_dma2 semaphore(%run_scoped3A : memref<!tpu.dma_semaphore, #tpu.memory_space<semaphore_mem>>) src(%arg2 : memref<4096xi32, #tpu.memory_space<hbm>>) dst(%arg9 : memref<4096xi32, #tpu.memory_space<vmem>>)
      tpu.yield
    }) : () -> ()
    "tpu.region"() ({
      %run_scoped3A = tpu.sem_alloc : memref<!tpu.dma_semaphore, #tpu.memory_space<semaphore_mem>>
      tpu.enqueue_dma source(%arg3 : memref<4096xi32, #tpu.memory_space<hbm>>) target(%arg10 : memref<4096xi32, #tpu.memory_space<vmem>>) target_semaphore(%run_scoped3A : memref<!tpu.dma_semaphore, #tpu.memory_space<semaphore_mem>>)
      tpu.wait_dma2 semaphore(%run_scoped3A : memref<!tpu.dma_semaphore, #tpu.memory_space<semaphore_mem>>) src(%arg3 : memref<4096xi32, #tpu.memory_space<hbm>>) dst(%arg10 : memref<4096xi32, #tpu.memory_space<vmem>>)
      tpu.yield
    }) : () -> ()
    %add3A_3 = arith.constant 0 : i32
    %add3A_4 = arith.addi %mul3A_2, %add3A_3 : i32
    %dma_start3A = arith.constant 0 : i32
    %dma_start3A_5 = tpu.memref_slice %arg11[%dma_start3A] : memref<50080xf32, #tpu.memory_space<vmem>> -> memref<49920xf32, #tpu.memory_space<vmem>>
    %dma_start3A_6 = arith.constant 0 : i32
    %dma_start3A_7 = tpu.memref_slice %arg4[%add3A_4, %dma_start3A_6] : memref<64x100000xf32, #tpu.memory_space<hbm>> -> memref<1x49920xf32, #tpu.memory_space<hbm>>
    %dma_start3A_8 = tpu.memref_squeeze %dma_start3A_7 : memref<1x49920xf32, #tpu.memory_space<hbm>> -> memref<49920xf32, #tpu.memory_space<hbm>>
    %dma_start3A_9 = arith.constant 0 : i32
    %dma_start3A_10 = tpu.memref_slice %arg11[%dma_start3A_9] : memref<50080xf32, #tpu.memory_space<vmem>> -> memref<49920xf32, #tpu.memory_space<vmem>>
    %dma_start3A_11 = arith.constant 0 : i32
    %dma_start3A_12 = tpu.memref_slice %arg4[%add3A_4, %dma_start3A_11] : memref<64x100000xf32, #tpu.memory_space<hbm>> -> memref<1x49920xf32, #tpu.memory_space<hbm>>
    %dma_start3A_13 = tpu.memref_squeeze %dma_start3A_12 : memref<1x49920xf32, #tpu.memory_space<hbm>> -> memref<49920xf32, #tpu.memory_space<hbm>>
    tpu.enqueue_dma source(%dma_start3A_13 : memref<49920xf32, #tpu.memory_space<hbm>>) target(%dma_start3A_10 : memref<49920xf32, #tpu.memory_space<vmem>>) target_semaphore(%arg14 : memref<!tpu.dma_semaphore, #tpu.memory_space<semaphore_mem>>)
    %add3A_14 = arith.constant 0 : i32
    %add3A_15 = arith.addi %mul3A_2, %add3A_14 : i32
    %dma_start3A_16 = arith.constant 0 : i32
    %dma_start3A_17 = tpu.memref_slice %arg12[%dma_start3A_16] : memref<50080xf32, #tpu.memory_space<vmem>> -> memref<50080xf32, #tpu.memory_space<vmem>>
    %dma_start3A_18 = arith.constant 49920 : i32
    %dma_start3A_19 = tpu.memref_slice %arg4[%add3A_15, %dma_start3A_18] : memref<64x100000xf32, #tpu.memory_space<hbm>> -> memref<1x50080xf32, #tpu.memory_space<hbm>>
    %dma_start3A_20 = tpu.memref_squeeze %dma_start3A_19 : memref<1x50080xf32, #tpu.memory_space<hbm>> -> memref<50080xf32, #tpu.memory_space<hbm>>
    %dma_start3A_21 = arith.constant 0 : i32
    %dma_start3A_22 = tpu.memref_slice %arg12[%dma_start3A_21] : memref<50080xf32, #tpu.memory_space<vmem>> -> memref<50080xf32, #tpu.memory_space<vmem>>
    %dma_start3A_23 = arith.constant 49920 : i32
    %dma_start3A_24 = tpu.memref_slice %arg4[%add3A_15, %dma_start3A_23] : memref<64x100000xf32, #tpu.memory_space<hbm>> -> memref<1x50080xf32, #tpu.memory_space<hbm>>
    %dma_start3A_25 = tpu.memref_squeeze %dma_start3A_24 : memref<1x50080xf32, #tpu.memory_space<hbm>> -> memref<50080xf32, #tpu.memory_space<hbm>>
    tpu.enqueue_dma source(%dma_start3A_25 : memref<50080xf32, #tpu.memory_space<hbm>>) target(%dma_start3A_22 : memref<50080xf32, #tpu.memory_space<vmem>>) target_semaphore(%arg15 : memref<!tpu.dma_semaphore, #tpu.memory_space<semaphore_mem>>)
    %dma_wait3A = arith.constant 0 : i32
    %dma_wait3A_26 = tpu.memref_slice %arg11[%dma_wait3A] : memref<50080xf32, #tpu.memory_space<vmem>> -> memref<49920xf32, #tpu.memory_space<vmem>>
    %dma_wait3A_27 = arith.constant 0 : i32
    %dma_wait3A_28 = tpu.memref_slice %arg4[%add3A_4, %dma_wait3A_27] : memref<64x100000xf32, #tpu.memory_space<hbm>> -> memref<1x49920xf32, #tpu.memory_space<hbm>>
    %dma_wait3A_29 = tpu.memref_squeeze %dma_wait3A_28 : memref<1x49920xf32, #tpu.memory_space<hbm>> -> memref<49920xf32, #tpu.memory_space<hbm>>
    %dma_wait3A_30 = arith.constant 0 : i32
    %dma_wait3A_31 = tpu.memref_slice %arg11[%dma_wait3A_30] : memref<50080xf32, #tpu.memory_space<vmem>> -> memref<49920xf32, #tpu.memory_space<vmem>>
    %dma_wait3A_32 = arith.constant 0 : i32
    %dma_wait3A_33 = tpu.memref_slice %arg4[%add3A_4, %dma_wait3A_32] : memref<64x100000xf32, #tpu.memory_space<hbm>> -> memref<1x49920xf32, #tpu.memory_space<hbm>>
    %dma_wait3A_34 = tpu.memref_squeeze %dma_wait3A_33 : memref<1x49920xf32, #tpu.memory_space<hbm>> -> memref<49920xf32, #tpu.memory_space<hbm>>
    tpu.wait_dma2 semaphore(%arg14 : memref<!tpu.dma_semaphore, #tpu.memory_space<semaphore_mem>>) src(%dma_wait3A_34 : memref<49920xf32, #tpu.memory_space<hbm>>) dst(%dma_wait3A_31 : memref<49920xf32, #tpu.memory_space<vmem>>)
    %scan3A = arith.constant 0 : i32
    %scan3A_35 = arith.constant 0 : i32
    %scan3A_36 = arith.constant 256 : i32
    %scan3A_37 = arith.addi %scan3A_35, %scan3A_36 : i32
    %scan3A_38 = arith.constant 1 : i32
    scf.for %scan3A_480 = %scan3A_35 to %scan3A_37 step %scan3A_38  : i32 {
      %mul3A_481 = arith.constant 1 : i32
      %mul3A_482 = arith.muli %scan3A_480, %mul3A_481 : i32
      %add3A_483 = arith.constant 0 : i32
      %add3A_484 = arith.addi %mul3A_482, %add3A_483 : i32
      %mul3A_485 = arith.constant 16 : i32
      %mul3A_486 = arith.muli %add3A_484, %mul3A_485 : i32
      %get3A = arith.index_cast %mul3A_486 : i32 to index
      %get3A_487 = tpu.vector_load %arg9[%get3A] {strides = array<i32>} : memref<4096xi32, #tpu.memory_space<vmem>>, vector<16xi32>,
      %lt3A = arith.constant 49920 : i32
      %lt3A_488 = vector.broadcast %lt3A : i32 to vector<16xi32>
      %lt3A_489 = arith.cmpi slt, %get3A_487, %lt3A_488 : vector<16xi32>
      %gather3A = tpu.vector_load_idx %arg11[%get3A_487] masked %lt3A_489 : memref<50080xf32, #tpu.memory_space<vmem>>[vector<16xi32>], vector<16xf32>, vector<16xi1>
      %swap3A = arith.index_cast %mul3A_486 : i32 to index
      %swap3A_490 = tpu.vector_load %arg13[%swap3A] {strides = array<i32>} : memref<4096xf32, #tpu.memory_space<vmem>>, vector<16xf32>,
      tpu.vector_store %arg13[%swap3A], %gather3A {strides = array<i32>} : memref<4096xf32, #tpu.memory_space<vmem>>, vector<16xf32>,
    }
    %scan3A_39 = arith.constant 256 : i32
    %add3A_40 = arith.constant 1 : i32
    %add3A_41 = arith.addi %mul3A_2, %add3A_40 : i32
    %dma_start3A_42 = arith.constant 0 : i32
    %dma_start3A_43 = tpu.memref_slice %arg11[%dma_start3A_42] : memref<50080xf32, #tpu.memory_space<vmem>> -> memref<49920xf32, #tpu.memory_space<vmem>>
    %dma_start3A_44 = arith.constant 0 : i32
    %dma_start3A_45 = tpu.memref_slice %arg4[%add3A_41, %dma_start3A_44] : memref<64x100000xf32, #tpu.memory_space<hbm>> -> memref<1x49920xf32, #tpu.memory_space<hbm>>
    %dma_start3A_46 = tpu.memref_squeeze %dma_start3A_45 : memref<1x49920xf32, #tpu.memory_space<hbm>> -> memref<49920xf32, #tpu.memory_space<hbm>>
    %dma_start3A_47 = arith.constant 0 : i32
    %dma_start3A_48 = tpu.memref_slice %arg11[%dma_start3A_47] : memref<50080xf32, #tpu.memory_space<vmem>> -> memref<49920xf32, #tpu.memory_space<vmem>>
    %dma_start3A_49 = arith.constant 0 : i32
    %dma_start3A_50 = tpu.memref_slice %arg4[%add3A_41, %dma_start3A_49] : memref<64x100000xf32, #tpu.memory_space<hbm>> -> memref<1x49920xf32, #tpu.memory_space<hbm>>
    %dma_start3A_51 = tpu.memref_squeeze %dma_start3A_50 : memref<1x49920xf32, #tpu.memory_space<hbm>> -> memref<49920xf32, #tpu.memory_space<hbm>>
    tpu.enqueue_dma source(%dma_start3A_51 : memref<49920xf32, #tpu.memory_space<hbm>>) target(%dma_start3A_48 : memref<49920xf32, #tpu.memory_space<vmem>>) target_semaphore(%arg14 : memref<!tpu.dma_semaphore, #tpu.memory_space<semaphore_mem>>)
    %dma_wait3A_52 = arith.constant 0 : i32
    %dma_wait3A_53 = tpu.memref_slice %arg12[%dma_wait3A_52] : memref<50080xf32, #tpu.memory_space<vmem>> -> memref<50080xf32, #tpu.memory_space<vmem>>
    %dma_wait3A_54 = arith.constant 49920 : i32
    %dma_wait3A_55 = tpu.memref_slice %arg4[%add3A_15, %dma_wait3A_54] : memref<64x100000xf32, #tpu.memory_space<hbm>> -> memref<1x50080xf32, #tpu.memory_space<hbm>>
    %dma_wait3A_56 = tpu.memref_squeeze %dma_wait3A_55 : memref<1x50080xf32, #tpu.memory_space<hbm>> -> memref<50080xf32, #tpu.memory_space<hbm>>
    %dma_wait3A_57 = arith.constant 0 : i32
    %dma_wait3A_58 = tpu.memref_slice %arg12[%dma_wait3A_57] : memref<50080xf32, #tpu.memory_space<vmem>> -> memref<50080xf32, #tpu.memory_space<vmem>>
    %dma_wait3A_59 = arith.constant 49920 : i32
    %dma_wait3A_60 = tpu.memref_slice %arg4[%add3A_15, %dma_wait3A_59] : memref<64x100000xf32, #tpu.memory_space<hbm>> -> memref<1x50080xf32, #tpu.memory_space<hbm>>
    %dma_wait3A_61 = tpu.memref_squeeze %dma_wait3A_60 : memref<1x50080xf32, #tpu.memory_space<hbm>> -> memref<50080xf32, #tpu.memory_space<hbm>>
    tpu.wait_dma2 semaphore(%arg15 : memref<!tpu.dma_semaphore, #tpu.memory_space<semaphore_mem>>) src(%dma_wait3A_61 : memref<50080xf32, #tpu.memory_space<hbm>>) dst(%dma_wait3A_58 : memref<50080xf32, #tpu.memory_space<vmem>>)
    %scan3A_62 = arith.constant 0 : i32
    %scan3A_63 = arith.constant 0 : i32
    %scan3A_64 = arith.constant 256 : i32
    %scan3A_65 = arith.addi %scan3A_63, %scan3A_64 : i32
    %scan3A_66 = arith.constant 1 : i32
    scf.for %scan3A_480 = %scan3A_63 to %scan3A_65 step %scan3A_66  : i32 {
      %mul3A_481 = arith.constant 1 : i32
      %mul3A_482 = arith.muli %scan3A_480, %mul3A_481 : i32
      %add3A_483 = arith.constant 0 : i32
      %add3A_484 = arith.addi %mul3A_482, %add3A_483 : i32
      %mul3A_485 = arith.constant 16 : i32
      %mul3A_486 = arith.muli %add3A_484, %mul3A_485 : i32
      %get3A = arith.index_cast %mul3A_486 : i32 to index
      %get3A_487 = tpu.vector_load %arg9[%get3A] {strides = array<i32>} : memref<4096xi32, #tpu.memory_space<vmem>>, vector<16xi32>,
      %ge3A = arith.constant 49920 : i32
      %ge3A_488 = vector.broadcast %ge3A : i32 to vector<16xi32>
      %ge3A_489 = arith.cmpi sge, %get3A_487, %ge3A_488 : vector<16xi32>
      %sub3A = arith.constant 49920 : i32
      %sub3A_490 = vector.broadcast %sub3A : i32 to vector<16xi32>
      %sub3A_491 = arith.subi %get3A_487, %sub3A_490 : vector<16xi32>
      %gather3A = tpu.vector_load_idx %arg12[%sub3A_491] masked %ge3A_489 : memref<50080xf32, #tpu.memory_space<vmem>>[vector<16xi32>], vector<16xf32>, vector<16xi1>
      %get3A_492 = arith.index_cast %mul3A_486 : i32 to index
      %get3A_493 = tpu.vector_load %arg13[%get3A_492] {strides = array<i32>} : memref<4096xf32, #tpu.memory_space<vmem>>, vector<16xf32>,
      %select_n3A = arith.select %ge3A_489, %gather3A, %get3A_493 : vector<16xi1>, vector<16xf32>
      %swap3A = arith.index_cast %mul3A_486 : i32 to index
      %swap3A_494 = tpu.vector_load %arg13[%swap3A] {strides = array<i32>} : memref<4096xf32, #tpu.memory_space<vmem>>, vector<16xf32>,
      tpu.vector_store %arg13[%swap3A], %select_n3A {strides = array<i32>} : memref<4096xf32, #tpu.memory_space<vmem>>, vector<16xf32>,
    }
    %scan3A_67 = arith.constant 256 : i32
    %add3A_68 = arith.constant 0 : i32
    %add3A_69 = arith.addi %add3A_68, %mul3A_2 : i32
    %add3A_70 = arith.constant 0 : i32
    %add3A_71 = arith.addi %add3A_69, %add3A_70 : i32
    "tpu.region"() ({
      %run_scoped3A = tpu.sem_alloc : memref<!tpu.dma_semaphore, #tpu.memory_space<semaphore_mem>>
      %dma_start3A_480 = arith.constant 0 : i32
      %dma_start3A_481 = tpu.memref_slice %arg8[%add3A_71, %dma_start3A_480] : memref<256x4096xf32, #tpu.memory_space<hbm>> -> memref<1x4096xf32, #tpu.memory_space<hbm>>
      %dma_start3A_482 = tpu.memref_squeeze %dma_start3A_481 : memref<1x4096xf32, #tpu.memory_space<hbm>> -> memref<4096xf32, #tpu.memory_space<hbm>>
      %dma_start3A_483 = arith.constant 0 : i32
      %dma_start3A_484 = tpu.memref_slice %arg8[%add3A_71, %dma_start3A_483] : memref<256x4096xf32, #tpu.memory_space<hbm>> -> memref<1x4096xf32, #tpu.memory_space<hbm>>
      %dma_start3A_485 = tpu.memref_squeeze %dma_start3A_484 : memref<1x4096xf32, #tpu.memory_space<hbm>> -> memref<4096xf32, #tpu.memory_space<hbm>>
      tpu.enqueue_dma source(%arg13 : memref<4096xf32, #tpu.memory_space<vmem>>) target(%dma_start3A_485 : memref<4096xf32, #tpu.memory_space<hbm>>) target_semaphore(%run_scoped3A : memref<!tpu.dma_semaphore, #tpu.memory_space<semaphore_mem>>)
      %dma_wait3A_486 = arith.constant 0 : i32
      %dma_wait3A_487 = tpu.memref_slice %arg8[%add3A_71, %dma_wait3A_486] : memref<256x4096xf32, #tpu.memory_space<hbm>> -> memref<1x4096xf32, #tpu.memory_space<hbm>>
      %dma_wait3A_488 = tpu.memref_squeeze %dma_wait3A_487 : memref<1x4096xf32, #tpu.memory_space<hbm>> -> memref<4096xf32, #tpu.memory_space<hbm>>
      %dma_wait3A_489 = arith.constant 0 : i32
      %dma_wait3A_490 = tpu.memref_slice %arg8[%add3A_71, %dma_wait3A_489] : memref<256x4096xf32, #tpu.memory_space<hbm>> -> memref<1x4096xf32, #tpu.memory_space<hbm>>
      %dma_wait3A_491 = tpu.memref_squeeze %dma_wait3A_490 : memref<1x4096xf32, #tpu.memory_space<hbm>> -> memref<4096xf32, #tpu.memory_space<hbm>>
      tpu.wait_dma2 semaphore(%run_scoped3A : memref<!tpu.dma_semaphore, #tpu.memory_space<semaphore_mem>>) src(%arg13 : memref<4096xf32, #tpu.memory_space<vmem>>) dst(%dma_wait3A_491 : memref<4096xf32, #tpu.memory_space<hbm>>)
      tpu.yield
    }) : () -> ()
    %add3A_72 = arith.constant 1 : i32
    %add3A_73 = arith.addi %mul3A_2, %add3A_72 : i32
    %dma_start3A_74 = arith.constant 0 : i32
    %dma_start3A_75 = tpu.memref_slice %arg12[%dma_start3A_74] : memref<50080xf32, #tpu.memory_space<vmem>> -> memref<50080xf32, #tpu.memory_space<vmem>>
    %dma_start3A_76 = arith.constant 49920 : i32
    %dma_start3A_77 = tpu.memref_slice %arg4[%add3A_73, %dma_start3A_76] : memref<64x100000xf32, #tpu.memory_space<hbm>> -> memref<1x50080xf32, #tpu.memory_space<hbm>>
    %dma_start3A_78 = tpu.memref_squeeze %dma_start3A_77 : memref<1x50080xf32, #tpu.memory_space<hbm>> -> memref<50080xf32, #tpu.memory_space<hbm>>
    %dma_start3A_79 = arith.constant 0 : i32
    %dma_start3A_80 = tpu.memref_slice %arg12[%dma_start3A_79] : memref<50080xf32, #tpu.memory_space<vmem>> -> memref<50080xf32, #tpu.memory_space<vmem>>
    %dma_start3A_81 = arith.constant 49920 : i32
    %dma_start3A_82 = tpu.memref_slice %arg4[%add3A_73, %dma_start3A_81] : memref<64x100000xf32, #tpu.memory_space<hbm>> -> memref<1x50080xf32, #tpu.memory_space<hbm>>
    %dma_start3A_83 = tpu.memref_squeeze %dma_start3A_82 : memref<1x50080xf32, #tpu.memory_space<hbm>> -> memref<50080xf32, #tpu.memory_space<hbm>>
    tpu.enqueue_dma source(%dma_start3A_83 : memref<50080xf32, #tpu.memory_space<hbm>>) target(%dma_start3A_80 : memref<50080xf32, #tpu.memory_space<vmem>>) target_semaphore(%arg15 : memref<!tpu.dma_semaphore, #tpu.memory_space<semaphore_mem>>)
    %dma_wait3A_84 = arith.constant 0 : i32
    %dma_wait3A_85 = tpu.memref_slice %arg11[%dma_wait3A_84] : memref<50080xf32, #tpu.memory_space<vmem>> -> memref<49920xf32, #tpu.memory_space<vmem>>
    %dma_wait3A_86 = arith.constant 0 : i32
    %dma_wait3A_87 = tpu.memref_slice %arg4[%add3A_41, %dma_wait3A_86] : memref<64x100000xf32, #tpu.memory_space<hbm>> -> memref<1x49920xf32, #tpu.memory_space<hbm>>
    %dma_wait3A_88 = tpu.memref_squeeze %dma_wait3A_87 : memref<1x49920xf32, #tpu.memory_space<hbm>> -> memref<49920xf32, #tpu.memory_space<hbm>>
    %dma_wait3A_89 = arith.constant 0 : i32
    %dma_wait3A_90 = tpu.memref_slice %arg11[%dma_wait3A_89] : memref<50080xf32, #tpu.memory_space<vmem>> -> memref<49920xf32, #tpu.memory_space<vmem>>
    %dma_wait3A_91 = arith.constant 0 : i32
    %dma_wait3A_92 = tpu.memref_slice %arg4[%add3A_41, %dma_wait3A_91] : memref<64x100000xf32, #tpu.memory_space<hbm>> -> memref<1x49920xf32, #tpu.memory_space<hbm>>
    %dma_wait3A_93 = tpu.memref_squeeze %dma_wait3A_92 : memref<1x49920xf32, #tpu.memory_space<hbm>> -> memref<49920xf32, #tpu.memory_space<hbm>>
    tpu.wait_dma2 semaphore(%arg14 : memref<!tpu.dma_semaphore, #tpu.memory_space<semaphore_mem>>) src(%dma_wait3A_93 : memref<49920xf32, #tpu.memory_space<hbm>>) dst(%dma_wait3A_90 : memref<49920xf32, #tpu.memory_space<vmem>>)
    %scan3A_94 = arith.constant 0 : i32
    %scan3A_95 = arith.constant 0 : i32
    %scan3A_96 = arith.constant 256 : i32
    %scan3A_97 = arith.addi %scan3A_95, %scan3A_96 : i32
    %scan3A_98 = arith.constant 1 : i32
    scf.for %scan3A_480 = %scan3A_95 to %scan3A_97 step %scan3A_98  : i32 {
      %mul3A_481 = arith.constant 1 : i32
      %mul3A_482 = arith.muli %scan3A_480, %mul3A_481 : i32
      %add3A_483 = arith.constant 0 : i32
      %add3A_484 = arith.addi %mul3A_482, %add3A_483 : i32
      %mul3A_485 = arith.constant 16 : i32
      %mul3A_486 = arith.muli %add3A_484, %mul3A_485 : i32
      %get3A = arith.index_cast %mul3A_486 : i32 to index
      %get3A_487 = tpu.vector_load %arg9[%get3A] {strides = array<i32>} : memref<4096xi32, #tpu.memory_space<vmem>>, vector<16xi32>,
      %lt3A = arith.constant 49920 : i32
      %lt3A_488 = vector.broadcast %lt3A : i32 to vector<16xi32>
      %lt3A_489 = arith.cmpi slt, %get3A_487, %lt3A_488 : vector<16xi32>
      %gather3A = tpu.vector_load_idx %arg11[%get3A_487] masked %lt3A_489 : memref<50080xf32, #tpu.memory_space<vmem>>[vector<16xi32>], vector<16xf32>, vector<16xi1>
      %swap3A = arith.index_cast %mul3A_486 : i32 to index
      %swap3A_490 = tpu.vector_load %arg13[%swap3A] {strides = array<i32>} : memref<4096xf32, #tpu.memory_space<vmem>>, vector<16xf32>,
      tpu.vector_store %arg13[%swap3A], %gather3A {strides = array<i32>} : memref<4096xf32, #tpu.memory_space<vmem>>, vector<16xf32>,
    }
    %scan3A_99 = arith.constant 256 : i32
    %add3A_100 = arith.constant 0 : i32
    %add3A_101 = arith.addi %mul3A_2, %add3A_100 : i32
    %dma_start3A_102 = arith.constant 0 : i32
    %dma_start3A_103 = tpu.memref_slice %arg11[%dma_start3A_102] : memref<50080xf32, #tpu.memory_space<vmem>> -> memref<49920xf32, #tpu.memory_space<vmem>>
    %dma_start3A_104 = arith.constant 0 : i32
    %dma_start3A_105 = tpu.memref_slice %arg5[%add3A_101, %dma_start3A_104] : memref<64x100000xf32, #tpu.memory_space<hbm>> -> memref<1x49920xf32, #tpu.memory_space<hbm>>
    %dma_start3A_106 = tpu.memref_squeeze %dma_start3A_105 : memref<1x49920xf32, #tpu.memory_space<hbm>> -> memref<49920xf32, #tpu.memory_space<hbm>>
    %dma_start3A_107 = arith.constant 0 : i32
    %dma_start3A_108 = tpu.memref_slice %arg11[%dma_start3A_107] : memref<50080xf32, #tpu.memory_space<vmem>> -> memref<49920xf32, #tpu.memory_space<vmem>>
    %dma_start3A_109 = arith.constant 0 : i32
    %dma_start3A_110 = tpu.memref_slice %arg5[%add3A_101, %dma_start3A_109] : memref<64x100000xf32, #tpu.memory_space<hbm>> -> memref<1x49920xf32, #tpu.memory_space<hbm>>
    %dma_start3A_111 = tpu.memref_squeeze %dma_start3A_110 : memref<1x49920xf32, #tpu.memory_space<hbm>> -> memref<49920xf32, #tpu.memory_space<hbm>>
    tpu.enqueue_dma source(%dma_start3A_111 : memref<49920xf32, #tpu.memory_space<hbm>>) target(%dma_start3A_108 : memref<49920xf32, #tpu.memory_space<vmem>>) target_semaphore(%arg14 : memref<!tpu.dma_semaphore, #tpu.memory_space<semaphore_mem>>)
    %dma_wait3A_112 = arith.constant 0 : i32
    %dma_wait3A_113 = tpu.memref_slice %arg12[%dma_wait3A_112] : memref<50080xf32, #tpu.memory_space<vmem>> -> memref<50080xf32, #tpu.memory_space<vmem>>
    %dma_wait3A_114 = arith.constant 49920 : i32
    %dma_wait3A_115 = tpu.memref_slice %arg4[%add3A_73, %dma_wait3A_114] : memref<64x100000xf32, #tpu.memory_space<hbm>> -> memref<1x50080xf32, #tpu.memory_space<hbm>>
    %dma_wait3A_116 = tpu.memref_squeeze %dma_wait3A_115 : memref<1x50080xf32, #tpu.memory_space<hbm>> -> memref<50080xf32, #tpu.memory_space<hbm>>
    %dma_wait3A_117 = arith.constant 0 : i32
    %dma_wait3A_118 = tpu.memref_slice %arg12[%dma_wait3A_117] : memref<50080xf32, #tpu.memory_space<vmem>> -> memref<50080xf32, #tpu.memory_space<vmem>>
    %dma_wait3A_119 = arith.constant 49920 : i32
    %dma_wait3A_120 = tpu.memref_slice %arg4[%add3A_73, %dma_wait3A_119] : memref<64x100000xf32, #tpu.memory_space<hbm>> -> memref<1x50080xf32, #tpu.memory_space<hbm>>
    %dma_wait3A_121 = tpu.memref_squeeze %dma_wait3A_120 : memref<1x50080xf32, #tpu.memory_space<hbm>> -> memref<50080xf32, #tpu.memory_space<hbm>>
    tpu.wait_dma2 semaphore(%arg15 : memref<!tpu.dma_semaphore, #tpu.memory_space<semaphore_mem>>) src(%dma_wait3A_121 : memref<50080xf32, #tpu.memory_space<hbm>>) dst(%dma_wait3A_118 : memref<50080xf32, #tpu.memory_space<vmem>>)
    %scan3A_122 = arith.constant 0 : i32
    %scan3A_123 = arith.constant 0 : i32
    %scan3A_124 = arith.constant 256 : i32
    %scan3A_125 = arith.addi %scan3A_123, %scan3A_124 : i32
    %scan3A_126 = arith.constant 1 : i32
    scf.for %scan3A_480 = %scan3A_123 to %scan3A_125 step %scan3A_126  : i32 {
      %mul3A_481 = arith.constant 1 : i32
      %mul3A_482 = arith.muli %scan3A_480, %mul3A_481 : i32
      %add3A_483 = arith.constant 0 : i32
      %add3A_484 = arith.addi %mul3A_482, %add3A_483 : i32
      %mul3A_485 = arith.constant 16 : i32
      %mul3A_486 = arith.muli %add3A_484, %mul3A_485 : i32
      %get3A = arith.index_cast %mul3A_486 : i32 to index
      %get3A_487 = tpu.vector_load %arg9[%get3A] {strides = array<i32>} : memref<4096xi32, #tpu.memory_space<vmem>>, vector<16xi32>,
      %ge3A = arith.constant 49920 : i32
      %ge3A_488 = vector.broadcast %ge3A : i32 to vector<16xi32>
      %ge3A_489 = arith.cmpi sge, %get3A_487, %ge3A_488 : vector<16xi32>
      %sub3A = arith.constant 49920 : i32
      %sub3A_490 = vector.broadcast %sub3A : i32 to vector<16xi32>
      %sub3A_491 = arith.subi %get3A_487, %sub3A_490 : vector<16xi32>
      %gather3A = tpu.vector_load_idx %arg12[%sub3A_491] masked %ge3A_489 : memref<50080xf32, #tpu.memory_space<vmem>>[vector<16xi32>], vector<16xf32>, vector<16xi1>
      %get3A_492 = arith.index_cast %mul3A_486 : i32 to index
      %get3A_493 = tpu.vector_load %arg13[%get3A_492] {strides = array<i32>} : memref<4096xf32, #tpu.memory_space<vmem>>, vector<16xf32>,
      %select_n3A = arith.select %ge3A_489, %gather3A, %get3A_493 : vector<16xi1>, vector<16xf32>
      %swap3A = arith.index_cast %mul3A_486 : i32 to index
      %swap3A_494 = tpu.vector_load %arg13[%swap3A] {strides = array<i32>} : memref<4096xf32, #tpu.memory_space<vmem>>, vector<16xf32>,
      tpu.vector_store %arg13[%swap3A], %select_n3A {strides = array<i32>} : memref<4096xf32, #tpu.memory_space<vmem>>, vector<16xf32>,
    }
    %scan3A_127 = arith.constant 256 : i32
    %add3A_128 = arith.constant 0 : i32
    %add3A_129 = arith.addi %add3A_128, %mul3A_2 : i32
    %add3A_130 = arith.constant 1 : i32
    %add3A_131 = arith.addi %add3A_129, %add3A_130 : i32
    "tpu.region"() ({
      %run_scoped3A = tpu.sem_alloc : memref<!tpu.dma_semaphore, #tpu.memory_space<semaphore_mem>>
      %dma_start3A_480 = arith.constant 0 : i32
      %dma_start3A_481 = tpu.memref_slice %arg8[%add3A_131, %dma_start3A_480] : memref<256x4096xf32, #tpu.memory_space<hbm>> -> memref<1x4096xf32, #tpu.memory_space<hbm>>
      %dma_start3A_482 = tpu.memref_squeeze %dma_start3A_481 : memref<1x4096xf32, #tpu.memory_space<hbm>> -> memref<4096xf32, #tpu.memory_space<hbm>>
      %dma_start3A_483 = arith.constant 0 : i32
      %dma_start3A_484 = tpu.memref_slice %arg8[%add3A_131, %dma_start3A_483] : memref<256x4096xf32, #tpu.memory_space<hbm>> -> memref<1x4096xf32, #tpu.memory_space<hbm>>
      %dma_start3A_485 = tpu.memref_squeeze %dma_start3A_484 : memref<1x4096xf32, #tpu.memory_space<hbm>> -> memref<4096xf32, #tpu.memory_space<hbm>>
      tpu.enqueue_dma source(%arg13 : memref<4096xf32, #tpu.memory_space<vmem>>) target(%dma_start3A_485 : memref<4096xf32, #tpu.memory_space<hbm>>) target_semaphore(%run_scoped3A : memref<!tpu.dma_semaphore, #tpu.memory_space<semaphore_mem>>)
      %dma_wait3A_486 = arith.constant 0 : i32
      %dma_wait3A_487 = tpu.memref_slice %arg8[%add3A_131, %dma_wait3A_486] : memref<256x4096xf32, #tpu.memory_space<hbm>> -> memref<1x4096xf32, #tpu.memory_space<hbm>>
      %dma_wait3A_488 = tpu.memref_squeeze %dma_wait3A_487 : memref<1x4096xf32, #tpu.memory_space<hbm>> -> memref<4096xf32, #tpu.memory_space<hbm>>
      %dma_wait3A_489 = arith.constant 0 : i32
      %dma_wait3A_490 = tpu.memref_slice %arg8[%add3A_131, %dma_wait3A_489] : memref<256x4096xf32, #tpu.memory_space<hbm>> -> memref<1x4096xf32, #tpu.memory_space<hbm>>
      %dma_wait3A_491 = tpu.memref_squeeze %dma_wait3A_490 : memref<1x4096xf32, #tpu.memory_space<hbm>> -> memref<4096xf32, #tpu.memory_space<hbm>>
      tpu.wait_dma2 semaphore(%run_scoped3A : memref<!tpu.dma_semaphore, #tpu.memory_space<semaphore_mem>>) src(%arg13 : memref<4096xf32, #tpu.memory_space<vmem>>) dst(%dma_wait3A_491 : memref<4096xf32, #tpu.memory_space<hbm>>)
      tpu.yield
    }) : () -> ()
    %add3A_132 = arith.constant 0 : i32
    %add3A_133 = arith.addi %mul3A_2, %add3A_132 : i32
    %dma_start3A_134 = arith.constant 0 : i32
    %dma_start3A_135 = tpu.memref_slice %arg12[%dma_start3A_134] : memref<50080xf32, #tpu.memory_space<vmem>> -> memref<50080xf32, #tpu.memory_space<vmem>>
    %dma_start3A_136 = arith.constant 49920 : i32
    %dma_start3A_137 = tpu.memref_slice %arg5[%add3A_133, %dma_start3A_136] : memref<64x100000xf32, #tpu.memory_space<hbm>> -> memref<1x50080xf32, #tpu.memory_space<hbm>>
    %dma_start3A_138 = tpu.memref_squeeze %dma_start3A_137 : memref<1x50080xf32, #tpu.memory_space<hbm>> -> memref<50080xf32, #tpu.memory_space<hbm>>
    %dma_start3A_139 = arith.constant 0 : i32
    %dma_start3A_140 = tpu.memref_slice %arg12[%dma_start3A_139] : memref<50080xf32, #tpu.memory_space<vmem>> -> memref<50080xf32, #tpu.memory_space<vmem>>
    %dma_start3A_141 = arith.constant 49920 : i32
    %dma_start3A_142 = tpu.memref_slice %arg5[%add3A_133, %dma_start3A_141] : memref<64x100000xf32, #tpu.memory_space<hbm>> -> memref<1x50080xf32, #tpu.memory_space<hbm>>
    %dma_start3A_143 = tpu.memref_squeeze %dma_start3A_142 : memref<1x50080xf32, #tpu.memory_space<hbm>> -> memref<50080xf32, #tpu.memory_space<hbm>>
    tpu.enqueue_dma source(%dma_start3A_143 : memref<50080xf32, #tpu.memory_space<hbm>>) target(%dma_start3A_140 : memref<50080xf32, #tpu.memory_space<vmem>>) target_semaphore(%arg15 : memref<!tpu.dma_semaphore, #tpu.memory_space<semaphore_mem>>)
    %dma_wait3A_144 = arith.constant 0 : i32
    %dma_wait3A_145 = tpu.memref_slice %arg11[%dma_wait3A_144] : memref<50080xf32, #tpu.memory_space<vmem>> -> memref<49920xf32, #tpu.memory_space<vmem>>
    %dma_wait3A_146 = arith.constant 0 : i32
    %dma_wait3A_147 = tpu.memref_slice %arg5[%add3A_101, %dma_wait3A_146] : memref<64x100000xf32, #tpu.memory_space<hbm>> -> memref<1x49920xf32, #tpu.memory_space<hbm>>
    %dma_wait3A_148 = tpu.memref_squeeze %dma_wait3A_147 : memref<1x49920xf32, #tpu.memory_space<hbm>> -> memref<49920xf32, #tpu.memory_space<hbm>>
    %dma_wait3A_149 = arith.constant 0 : i32
    %dma_wait3A_150 = tpu.memref_slice %arg11[%dma_wait3A_149] : memref<50080xf32, #tpu.memory_space<vmem>> -> memref<49920xf32, #tpu.memory_space<vmem>>
    %dma_wait3A_151 = arith.constant 0 : i32
    %dma_wait3A_152 = tpu.memref_slice %arg5[%add3A_101, %dma_wait3A_151] : memref<64x100000xf32, #tpu.memory_space<hbm>> -> memref<1x49920xf32, #tpu.memory_space<hbm>>
    %dma_wait3A_153 = tpu.memref_squeeze %dma_wait3A_152 : memref<1x49920xf32, #tpu.memory_space<hbm>> -> memref<49920xf32, #tpu.memory_space<hbm>>
    tpu.wait_dma2 semaphore(%arg14 : memref<!tpu.dma_semaphore, #tpu.memory_space<semaphore_mem>>) src(%dma_wait3A_153 : memref<49920xf32, #tpu.memory_space<hbm>>) dst(%dma_wait3A_150 : memref<49920xf32, #tpu.memory_space<vmem>>)
    %scan3A_154 = arith.constant 0 : i32
    %scan3A_155 = arith.constant 0 : i32
    %scan3A_156 = arith.constant 256 : i32
    %scan3A_157 = arith.addi %scan3A_155, %scan3A_156 : i32
    %scan3A_158 = arith.constant 1 : i32
    scf.for %scan3A_480 = %scan3A_155 to %scan3A_157 step %scan3A_158  : i32 {
      %mul3A_481 = arith.constant 1 : i32
      %mul3A_482 = arith.muli %scan3A_480, %mul3A_481 : i32
      %add3A_483 = arith.constant 0 : i32
      %add3A_484 = arith.addi %mul3A_482, %add3A_483 : i32
      %mul3A_485 = arith.constant 16 : i32
      %mul3A_486 = arith.muli %add3A_484, %mul3A_485 : i32
      %get3A = arith.index_cast %mul3A_486 : i32 to index
      %get3A_487 = tpu.vector_load %arg9[%get3A] {strides = array<i32>} : memref<4096xi32, #tpu.memory_space<vmem>>, vector<16xi32>,
      %lt3A = arith.constant 49920 : i32
      %lt3A_488 = vector.broadcast %lt3A : i32 to vector<16xi32>
      %lt3A_489 = arith.cmpi slt, %get3A_487, %lt3A_488 : vector<16xi32>
      %gather3A = tpu.vector_load_idx %arg11[%get3A_487] masked %lt3A_489 : memref<50080xf32, #tpu.memory_space<vmem>>[vector<16xi32>], vector<16xf32>, vector<16xi1>
      %swap3A = arith.index_cast %mul3A_486 : i32 to index
      %swap3A_490 = tpu.vector_load %arg13[%swap3A] {strides = array<i32>} : memref<4096xf32, #tpu.memory_space<vmem>>, vector<16xf32>,
      tpu.vector_store %arg13[%swap3A], %gather3A {strides = array<i32>} : memref<4096xf32, #tpu.memory_space<vmem>>, vector<16xf32>,
    }
    %scan3A_159 = arith.constant 256 : i32
    %add3A_160 = arith.constant 1 : i32
    %add3A_161 = arith.addi %mul3A_2, %add3A_160 : i32
    %dma_start3A_162 = arith.constant 0 : i32
    %dma_start3A_163 = tpu.memref_slice %arg11[%dma_start3A_162] : memref<50080xf32, #tpu.memory_space<vmem>> -> memref<49920xf32, #tpu.memory_space<vmem>>
    %dma_start3A_164 = arith.constant 0 : i32
    %dma_start3A_165 = tpu.memref_slice %arg5[%add3A_161, %dma_start3A_164] : memref<64x100000xf32, #tpu.memory_space<hbm>> -> memref<1x49920xf32, #tpu.memory_space<hbm>>
    %dma_start3A_166 = tpu.memref_squeeze %dma_start3A_165 : memref<1x49920xf32, #tpu.memory_space<hbm>> -> memref<49920xf32, #tpu.memory_space<hbm>>
    %dma_start3A_167 = arith.constant 0 : i32
    %dma_start3A_168 = tpu.memref_slice %arg11[%dma_start3A_167] : memref<50080xf32, #tpu.memory_space<vmem>> -> memref<49920xf32, #tpu.memory_space<vmem>>
    %dma_start3A_169 = arith.constant 0 : i32
    %dma_start3A_170 = tpu.memref_slice %arg5[%add3A_161, %dma_start3A_169] : memref<64x100000xf32, #tpu.memory_space<hbm>> -> memref<1x49920xf32, #tpu.memory_space<hbm>>
    %dma_start3A_171 = tpu.memref_squeeze %dma_start3A_170 : memref<1x49920xf32, #tpu.memory_space<hbm>> -> memref<49920xf32, #tpu.memory_space<hbm>>
    tpu.enqueue_dma source(%dma_start3A_171 : memref<49920xf32, #tpu.memory_space<hbm>>) target(%dma_start3A_168 : memref<49920xf32, #tpu.memory_space<vmem>>) target_semaphore(%arg14 : memref<!tpu.dma_semaphore, #tpu.memory_space<semaphore_mem>>)
    %dma_wait3A_172 = arith.constant 0 : i32
    %dma_wait3A_173 = tpu.memref_slice %arg12[%dma_wait3A_172] : memref<50080xf32, #tpu.memory_space<vmem>> -> memref<50080xf32, #tpu.memory_space<vmem>>
    %dma_wait3A_174 = arith.constant 49920 : i32
    %dma_wait3A_175 = tpu.memref_slice %arg5[%add3A_133, %dma_wait3A_174] : memref<64x100000xf32, #tpu.memory_space<hbm>> -> memref<1x50080xf32, #tpu.memory_space<hbm>>
    %dma_wait3A_176 = tpu.memref_squeeze %dma_wait3A_175 : memref<1x50080xf32, #tpu.memory_space<hbm>> -> memref<50080xf32, #tpu.memory_space<hbm>>
    %dma_wait3A_177 = arith.constant 0 : i32
    %dma_wait3A_178 = tpu.memref_slice %arg12[%dma_wait3A_177] : memref<50080xf32, #tpu.memory_space<vmem>> -> memref<50080xf32, #tpu.memory_space<vmem>>
    %dma_wait3A_179 = arith.constant 49920 : i32
    %dma_wait3A_180 = tpu.memref_slice %arg5[%add3A_133, %dma_wait3A_179] : memref<64x100000xf32, #tpu.memory_space<hbm>> -> memref<1x50080xf32, #tpu.memory_space<hbm>>
    %dma_wait3A_181 = tpu.memref_squeeze %dma_wait3A_180 : memref<1x50080xf32, #tpu.memory_space<hbm>> -> memref<50080xf32, #tpu.memory_space<hbm>>
    tpu.wait_dma2 semaphore(%arg15 : memref<!tpu.dma_semaphore, #tpu.memory_space<semaphore_mem>>) src(%dma_wait3A_181 : memref<50080xf32, #tpu.memory_space<hbm>>) dst(%dma_wait3A_178 : memref<50080xf32, #tpu.memory_space<vmem>>)
    %scan3A_182 = arith.constant 0 : i32
    %scan3A_183 = arith.constant 0 : i32
    %scan3A_184 = arith.constant 256 : i32
    %scan3A_185 = arith.addi %scan3A_183, %scan3A_184 : i32
    %scan3A_186 = arith.constant 1 : i32
    scf.for %scan3A_480 = %scan3A_183 to %scan3A_185 step %scan3A_186  : i32 {
      %mul3A_481 = arith.constant 1 : i32
      %mul3A_482 = arith.muli %scan3A_480, %mul3A_481 : i32
      %add3A_483 = arith.constant 0 : i32
      %add3A_484 = arith.addi %mul3A_482, %add3A_483 : i32
      %mul3A_485 = arith.constant 16 : i32
      %mul3A_486 = arith.muli %add3A_484, %mul3A_485 : i32
      %get3A = arith.index_cast %mul3A_486 : i32 to index
      %get3A_487 = tpu.vector_load %arg9[%get3A] {strides = array<i32>} : memref<4096xi32, #tpu.memory_space<vmem>>, vector<16xi32>,
      %ge3A = arith.constant 49920 : i32
      %ge3A_488 = vector.broadcast %ge3A : i32 to vector<16xi32>
      %ge3A_489 = arith.cmpi sge, %get3A_487, %ge3A_488 : vector<16xi32>
      %sub3A = arith.constant 49920 : i32
      %sub3A_490 = vector.broadcast %sub3A : i32 to vector<16xi32>
      %sub3A_491 = arith.subi %get3A_487, %sub3A_490 : vector<16xi32>
      %gather3A = tpu.vector_load_idx %arg12[%sub3A_491] masked %ge3A_489 : memref<50080xf32, #tpu.memory_space<vmem>>[vector<16xi32>], vector<16xf32>, vector<16xi1>
      %get3A_492 = arith.index_cast %mul3A_486 : i32 to index
      %get3A_493 = tpu.vector_load %arg13[%get3A_492] {strides = array<i32>} : memref<4096xf32, #tpu.memory_space<vmem>>, vector<16xf32>,
      %select_n3A = arith.select %ge3A_489, %gather3A, %get3A_493 : vector<16xi1>, vector<16xf32>
      %swap3A = arith.index_cast %mul3A_486 : i32 to index
      %swap3A_494 = tpu.vector_load %arg13[%swap3A] {strides = array<i32>} : memref<4096xf32, #tpu.memory_space<vmem>>, vector<16xf32>,
      tpu.vector_store %arg13[%swap3A], %select_n3A {strides = array<i32>} : memref<4096xf32, #tpu.memory_space<vmem>>, vector<16xf32>,
    }
    %scan3A_187 = arith.constant 256 : i32
    %add3A_188 = arith.constant 64 : i32
    %add3A_189 = arith.addi %add3A_188, %mul3A_2 : i32
    %add3A_190 = arith.constant 0 : i32
    %add3A_191 = arith.addi %add3A_189, %add3A_190 : i32
    "tpu.region"() ({
      %run_scoped3A = tpu.sem_alloc : memref<!tpu.dma_semaphore, #tpu.memory_space<semaphore_mem>>
      %dma_start3A_480 = arith.constant 0 : i32
      %dma_start3A_481 = tpu.memref_slice %arg8[%add3A_191, %dma_start3A_480] : memref<256x4096xf32, #tpu.memory_space<hbm>> -> memref<1x4096xf32, #tpu.memory_space<hbm>>
      %dma_start3A_482 = tpu.memref_squeeze %dma_start3A_481 : memref<1x4096xf32, #tpu.memory_space<hbm>> -> memref<4096xf32, #tpu.memory_space<hbm>>
      %dma_start3A_483 = arith.constant 0 : i32
      %dma_start3A_484 = tpu.memref_slice %arg8[%add3A_191, %dma_start3A_483] : memref<256x4096xf32, #tpu.memory_space<hbm>> -> memref<1x4096xf32, #tpu.memory_space<hbm>>
      %dma_start3A_485 = tpu.memref_squeeze %dma_start3A_484 : memref<1x4096xf32, #tpu.memory_space<hbm>> -> memref<4096xf32, #tpu.memory_space<hbm>>
      tpu.enqueue_dma source(%arg13 : memref<4096xf32, #tpu.memory_space<vmem>>) target(%dma_start3A_485 : memref<4096xf32, #tpu.memory_space<hbm>>) target_semaphore(%run_scoped3A : memref<!tpu.dma_semaphore, #tpu.memory_space<semaphore_mem>>)
      %dma_wait3A_486 = arith.constant 0 : i32
      %dma_wait3A_487 = tpu.memref_slice %arg8[%add3A_191, %dma_wait3A_486] : memref<256x4096xf32, #tpu.memory_space<hbm>> -> memref<1x4096xf32, #tpu.memory_space<hbm>>
      %dma_wait3A_488 = tpu.memref_squeeze %dma_wait3A_487 : memref<1x4096xf32, #tpu.memory_space<hbm>> -> memref<4096xf32, #tpu.memory_space<hbm>>
      %dma_wait3A_489 = arith.constant 0 : i32
      %dma_wait3A_490 = tpu.memref_slice %arg8[%add3A_191, %dma_wait3A_489] : memref<256x4096xf32, #tpu.memory_space<hbm>> -> memref<1x4096xf32, #tpu.memory_space<hbm>>
      %dma_wait3A_491 = tpu.memref_squeeze %dma_wait3A_490 : memref<1x4096xf32, #tpu.memory_space<hbm>> -> memref<4096xf32, #tpu.memory_space<hbm>>
      tpu.wait_dma2 semaphore(%run_scoped3A : memref<!tpu.dma_semaphore, #tpu.memory_space<semaphore_mem>>) src(%arg13 : memref<4096xf32, #tpu.memory_space<vmem>>) dst(%dma_wait3A_491 : memref<4096xf32, #tpu.memory_space<hbm>>)
      tpu.yield
    }) : () -> ()
    %add3A_192 = arith.constant 1 : i32
    %add3A_193 = arith.addi %mul3A_2, %add3A_192 : i32
    %dma_start3A_194 = arith.constant 0 : i32
    %dma_start3A_195 = tpu.memref_slice %arg12[%dma_start3A_194] : memref<50080xf32, #tpu.memory_space<vmem>> -> memref<50080xf32, #tpu.memory_space<vmem>>
    %dma_start3A_196 = arith.constant 49920 : i32
    %dma_start3A_197 = tpu.memref_slice %arg5[%add3A_193, %dma_start3A_196] : memref<64x100000xf32, #tpu.memory_space<hbm>> -> memref<1x50080xf32, #tpu.memory_space<hbm>>
    %dma_start3A_198 = tpu.memref_squeeze %dma_start3A_197 : memref<1x50080xf32, #tpu.memory_space<hbm>> -> memref<50080xf32, #tpu.memory_space<hbm>>
    %dma_start3A_199 = arith.constant 0 : i32
    %dma_start3A_200 = tpu.memref_slice %arg12[%dma_start3A_199] : memref<50080xf32, #tpu.memory_space<vmem>> -> memref<50080xf32, #tpu.memory_space<vmem>>
    %dma_start3A_201 = arith.constant 49920 : i32
    %dma_start3A_202 = tpu.memref_slice %arg5[%add3A_193, %dma_start3A_201] : memref<64x100000xf32, #tpu.memory_space<hbm>> -> memref<1x50080xf32, #tpu.memory_space<hbm>>
    %dma_start3A_203 = tpu.memref_squeeze %dma_start3A_202 : memref<1x50080xf32, #tpu.memory_space<hbm>> -> memref<50080xf32, #tpu.memory_space<hbm>>
    tpu.enqueue_dma source(%dma_start3A_203 : memref<50080xf32, #tpu.memory_space<hbm>>) target(%dma_start3A_200 : memref<50080xf32, #tpu.memory_space<vmem>>) target_semaphore(%arg15 : memref<!tpu.dma_semaphore, #tpu.memory_space<semaphore_mem>>)
    %dma_wait3A_204 = arith.constant 0 : i32
    %dma_wait3A_205 = tpu.memref_slice %arg11[%dma_wait3A_204] : memref<50080xf32, #tpu.memory_space<vmem>> -> memref<49920xf32, #tpu.memory_space<vmem>>
    %dma_wait3A_206 = arith.constant 0 : i32
    %dma_wait3A_207 = tpu.memref_slice %arg5[%add3A_161, %dma_wait3A_206] : memref<64x100000xf32, #tpu.memory_space<hbm>> -> memref<1x49920xf32, #tpu.memory_space<hbm>>
    %dma_wait3A_208 = tpu.memref_squeeze %dma_wait3A_207 : memref<1x49920xf32, #tpu.memory_space<hbm>> -> memref<49920xf32, #tpu.memory_space<hbm>>
    %dma_wait3A_209 = arith.constant 0 : i32
    %dma_wait3A_210 = tpu.memref_slice %arg11[%dma_wait3A_209] : memref<50080xf32, #tpu.memory_space<vmem>> -> memref<49920xf32, #tpu.memory_space<vmem>>
    %dma_wait3A_211 = arith.constant 0 : i32
    %dma_wait3A_212 = tpu.memref_slice %arg5[%add3A_161, %dma_wait3A_211] : memref<64x100000xf32, #tpu.memory_space<hbm>> -> memref<1x49920xf32, #tpu.memory_space<hbm>>
    %dma_wait3A_213 = tpu.memref_squeeze %dma_wait3A_212 : memref<1x49920xf32, #tpu.memory_space<hbm>> -> memref<49920xf32, #tpu.memory_space<hbm>>
    tpu.wait_dma2 semaphore(%arg14 : memref<!tpu.dma_semaphore, #tpu.memory_space<semaphore_mem>>) src(%dma_wait3A_213 : memref<49920xf32, #tpu.memory_space<hbm>>) dst(%dma_wait3A_210 : memref<49920xf32, #tpu.memory_space<vmem>>)
    %scan3A_214 = arith.constant 0 : i32
    %scan3A_215 = arith.constant 0 : i32
    %scan3A_216 = arith.constant 256 : i32
    %scan3A_217 = arith.addi %scan3A_215, %scan3A_216 : i32
    %scan3A_218 = arith.constant 1 : i32
    scf.for %scan3A_480 = %scan3A_215 to %scan3A_217 step %scan3A_218  : i32 {
      %mul3A_481 = arith.constant 1 : i32
      %mul3A_482 = arith.muli %scan3A_480, %mul3A_481 : i32
      %add3A_483 = arith.constant 0 : i32
      %add3A_484 = arith.addi %mul3A_482, %add3A_483 : i32
      %mul3A_485 = arith.constant 16 : i32
      %mul3A_486 = arith.muli %add3A_484, %mul3A_485 : i32
      %get3A = arith.index_cast %mul3A_486 : i32 to index
      %get3A_487 = tpu.vector_load %arg9[%get3A] {strides = array<i32>} : memref<4096xi32, #tpu.memory_space<vmem>>, vector<16xi32>,
      %lt3A = arith.constant 49920 : i32
      %lt3A_488 = vector.broadcast %lt3A : i32 to vector<16xi32>
      %lt3A_489 = arith.cmpi slt, %get3A_487, %lt3A_488 : vector<16xi32>
      %gather3A = tpu.vector_load_idx %arg11[%get3A_487] masked %lt3A_489 : memref<50080xf32, #tpu.memory_space<vmem>>[vector<16xi32>], vector<16xf32>, vector<16xi1>
      %swap3A = arith.index_cast %mul3A_486 : i32 to index
      %swap3A_490 = tpu.vector_load %arg13[%swap3A] {strides = array<i32>} : memref<4096xf32, #tpu.memory_space<vmem>>, vector<16xf32>,
      tpu.vector_store %arg13[%swap3A], %gather3A {strides = array<i32>} : memref<4096xf32, #tpu.memory_space<vmem>>, vector<16xf32>,
    }
    %scan3A_219 = arith.constant 256 : i32
    %add3A_220 = arith.constant 0 : i32
    %add3A_221 = arith.addi %mul3A_2, %add3A_220 : i32
    %dma_start3A_222 = arith.constant 0 : i32
    %dma_start3A_223 = tpu.memref_slice %arg11[%dma_start3A_222] : memref<50080xf32, #tpu.memory_space<vmem>> -> memref<49920xf32, #tpu.memory_space<vmem>>
    %dma_start3A_224 = arith.constant 0 : i32
    %dma_start3A_225 = tpu.memref_slice %arg6[%add3A_221, %dma_start3A_224] : memref<64x100000xf32, #tpu.memory_space<hbm>> -> memref<1x49920xf32, #tpu.memory_space<hbm>>
    %dma_start3A_226 = tpu.memref_squeeze %dma_start3A_225 : memref<1x49920xf32, #tpu.memory_space<hbm>> -> memref<49920xf32, #tpu.memory_space<hbm>>
    %dma_start3A_227 = arith.constant 0 : i32
    %dma_start3A_228 = tpu.memref_slice %arg11[%dma_start3A_227] : memref<50080xf32, #tpu.memory_space<vmem>> -> memref<49920xf32, #tpu.memory_space<vmem>>
    %dma_start3A_229 = arith.constant 0 : i32
    %dma_start3A_230 = tpu.memref_slice %arg6[%add3A_221, %dma_start3A_229] : memref<64x100000xf32, #tpu.memory_space<hbm>> -> memref<1x49920xf32, #tpu.memory_space<hbm>>
    %dma_start3A_231 = tpu.memref_squeeze %dma_start3A_230 : memref<1x49920xf32, #tpu.memory_space<hbm>> -> memref<49920xf32, #tpu.memory_space<hbm>>
    tpu.enqueue_dma source(%dma_start3A_231 : memref<49920xf32, #tpu.memory_space<hbm>>) target(%dma_start3A_228 : memref<49920xf32, #tpu.memory_space<vmem>>) target_semaphore(%arg14 : memref<!tpu.dma_semaphore, #tpu.memory_space<semaphore_mem>>)
    %dma_wait3A_232 = arith.constant 0 : i32
    %dma_wait3A_233 = tpu.memref_slice %arg12[%dma_wait3A_232] : memref<50080xf32, #tpu.memory_space<vmem>> -> memref<50080xf32, #tpu.memory_space<vmem>>
    %dma_wait3A_234 = arith.constant 49920 : i32
    %dma_wait3A_235 = tpu.memref_slice %arg5[%add3A_193, %dma_wait3A_234] : memref<64x100000xf32, #tpu.memory_space<hbm>> -> memref<1x50080xf32, #tpu.memory_space<hbm>>
    %dma_wait3A_236 = tpu.memref_squeeze %dma_wait3A_235 : memref<1x50080xf32, #tpu.memory_space<hbm>> -> memref<50080xf32, #tpu.memory_space<hbm>>
    %dma_wait3A_237 = arith.constant 0 : i32
    %dma_wait3A_238 = tpu.memref_slice %arg12[%dma_wait3A_237] : memref<50080xf32, #tpu.memory_space<vmem>> -> memref<50080xf32, #tpu.memory_space<vmem>>
    %dma_wait3A_239 = arith.constant 49920 : i32
    %dma_wait3A_240 = tpu.memref_slice %arg5[%add3A_193, %dma_wait3A_239] : memref<64x100000xf32, #tpu.memory_space<hbm>> -> memref<1x50080xf32, #tpu.memory_space<hbm>>
    %dma_wait3A_241 = tpu.memref_squeeze %dma_wait3A_240 : memref<1x50080xf32, #tpu.memory_space<hbm>> -> memref<50080xf32, #tpu.memory_space<hbm>>
    tpu.wait_dma2 semaphore(%arg15 : memref<!tpu.dma_semaphore, #tpu.memory_space<semaphore_mem>>) src(%dma_wait3A_241 : memref<50080xf32, #tpu.memory_space<hbm>>) dst(%dma_wait3A_238 : memref<50080xf32, #tpu.memory_space<vmem>>)
    %scan3A_242 = arith.constant 0 : i32
    %scan3A_243 = arith.constant 0 : i32
    %scan3A_244 = arith.constant 256 : i32
    %scan3A_245 = arith.addi %scan3A_243, %scan3A_244 : i32
    %scan3A_246 = arith.constant 1 : i32
    scf.for %scan3A_480 = %scan3A_243 to %scan3A_245 step %scan3A_246  : i32 {
      %mul3A_481 = arith.constant 1 : i32
      %mul3A_482 = arith.muli %scan3A_480, %mul3A_481 : i32
      %add3A_483 = arith.constant 0 : i32
      %add3A_484 = arith.addi %mul3A_482, %add3A_483 : i32
      %mul3A_485 = arith.constant 16 : i32
      %mul3A_486 = arith.muli %add3A_484, %mul3A_485 : i32
      %get3A = arith.index_cast %mul3A_486 : i32 to index
      %get3A_487 = tpu.vector_load %arg9[%get3A] {strides = array<i32>} : memref<4096xi32, #tpu.memory_space<vmem>>, vector<16xi32>,
      %ge3A = arith.constant 49920 : i32
      %ge3A_488 = vector.broadcast %ge3A : i32 to vector<16xi32>
      %ge3A_489 = arith.cmpi sge, %get3A_487, %ge3A_488 : vector<16xi32>
      %sub3A = arith.constant 49920 : i32
      %sub3A_490 = vector.broadcast %sub3A : i32 to vector<16xi32>
      %sub3A_491 = arith.subi %get3A_487, %sub3A_490 : vector<16xi32>
      %gather3A = tpu.vector_load_idx %arg12[%sub3A_491] masked %ge3A_489 : memref<50080xf32, #tpu.memory_space<vmem>>[vector<16xi32>], vector<16xf32>, vector<16xi1>
      %get3A_492 = arith.index_cast %mul3A_486 : i32 to index
      %get3A_493 = tpu.vector_load %arg13[%get3A_492] {strides = array<i32>} : memref<4096xf32, #tpu.memory_space<vmem>>, vector<16xf32>,
      %select_n3A = arith.select %ge3A_489, %gather3A, %get3A_493 : vector<16xi1>, vector<16xf32>
      %swap3A = arith.index_cast %mul3A_486 : i32 to index
      %swap3A_494 = tpu.vector_load %arg13[%swap3A] {strides = array<i32>} : memref<4096xf32, #tpu.memory_space<vmem>>, vector<16xf32>,
      tpu.vector_store %arg13[%swap3A], %select_n3A {strides = array<i32>} : memref<4096xf32, #tpu.memory_space<vmem>>, vector<16xf32>,
    }
    %scan3A_247 = arith.constant 256 : i32
    %add3A_248 = arith.constant 64 : i32
    %add3A_249 = arith.addi %add3A_248, %mul3A_2 : i32
    %add3A_250 = arith.constant 1 : i32
    %add3A_251 = arith.addi %add3A_249, %add3A_250 : i32
    "tpu.region"() ({
      %run_scoped3A = tpu.sem_alloc : memref<!tpu.dma_semaphore, #tpu.memory_space<semaphore_mem>>
      %dma_start3A_480 = arith.constant 0 : i32
      %dma_start3A_481 = tpu.memref_slice %arg8[%add3A_251, %dma_start3A_480] : memref<256x4096xf32, #tpu.memory_space<hbm>> -> memref<1x4096xf32, #tpu.memory_space<hbm>>
      %dma_start3A_482 = tpu.memref_squeeze %dma_start3A_481 : memref<1x4096xf32, #tpu.memory_space<hbm>> -> memref<4096xf32, #tpu.memory_space<hbm>>
      %dma_start3A_483 = arith.constant 0 : i32
      %dma_start3A_484 = tpu.memref_slice %arg8[%add3A_251, %dma_start3A_483] : memref<256x4096xf32, #tpu.memory_space<hbm>> -> memref<1x4096xf32, #tpu.memory_space<hbm>>
      %dma_start3A_485 = tpu.memref_squeeze %dma_start3A_484 : memref<1x4096xf32, #tpu.memory_space<hbm>> -> memref<4096xf32, #tpu.memory_space<hbm>>
      tpu.enqueue_dma source(%arg13 : memref<4096xf32, #tpu.memory_space<vmem>>) target(%dma_start3A_485 : memref<4096xf32, #tpu.memory_space<hbm>>) target_semaphore(%run_scoped3A : memref<!tpu.dma_semaphore, #tpu.memory_space<semaphore_mem>>)
      %dma_wait3A_486 = arith.constant 0 : i32
      %dma_wait3A_487 = tpu.memref_slice %arg8[%add3A_251, %dma_wait3A_486] : memref<256x4096xf32, #tpu.memory_space<hbm>> -> memref<1x4096xf32, #tpu.memory_space<hbm>>
      %dma_wait3A_488 = tpu.memref_squeeze %dma_wait3A_487 : memref<1x4096xf32, #tpu.memory_space<hbm>> -> memref<4096xf32, #tpu.memory_space<hbm>>
      %dma_wait3A_489 = arith.constant 0 : i32
      %dma_wait3A_490 = tpu.memref_slice %arg8[%add3A_251, %dma_wait3A_489] : memref<256x4096xf32, #tpu.memory_space<hbm>> -> memref<1x4096xf32, #tpu.memory_space<hbm>>
      %dma_wait3A_491 = tpu.memref_squeeze %dma_wait3A_490 : memref<1x4096xf32, #tpu.memory_space<hbm>> -> memref<4096xf32, #tpu.memory_space<hbm>>
      tpu.wait_dma2 semaphore(%run_scoped3A : memref<!tpu.dma_semaphore, #tpu.memory_space<semaphore_mem>>) src(%arg13 : memref<4096xf32, #tpu.memory_space<vmem>>) dst(%dma_wait3A_491 : memref<4096xf32, #tpu.memory_space<hbm>>)
      tpu.yield
    }) : () -> ()
    %add3A_252 = arith.constant 0 : i32
    %add3A_253 = arith.addi %mul3A_2, %add3A_252 : i32
    %dma_start3A_254 = arith.constant 0 : i32
    %dma_start3A_255 = tpu.memref_slice %arg12[%dma_start3A_254] : memref<50080xf32, #tpu.memory_space<vmem>> -> memref<50080xf32, #tpu.memory_space<vmem>>
    %dma_start3A_256 = arith.constant 49920 : i32
    %dma_start3A_257 = tpu.memref_slice %arg6[%add3A_253, %dma_start3A_256] : memref<64x100000xf32, #tpu.memory_space<hbm>> -> memref<1x50080xf32, #tpu.memory_space<hbm>>
    %dma_start3A_258 = tpu.memref_squeeze %dma_start3A_257 : memref<1x50080xf32, #tpu.memory_space<hbm>> -> memref<50080xf32, #tpu.memory_space<hbm>>
    %dma_start3A_259 = arith.constant 0 : i32
    %dma_start3A_260 = tpu.memref_slice %arg12[%dma_start3A_259] : memref<50080xf32, #tpu.memory_space<vmem>> -> memref<50080xf32, #tpu.memory_space<vmem>>
    %dma_start3A_261 = arith.constant 49920 : i32
    %dma_start3A_262 = tpu.memref_slice %arg6[%add3A_253, %dma_start3A_261] : memref<64x100000xf32, #tpu.memory_space<hbm>> -> memref<1x50080xf32, #tpu.memory_space<hbm>>
    %dma_start3A_263 = tpu.memref_squeeze %dma_start3A_262 : memref<1x50080xf32, #tpu.memory_space<hbm>> -> memref<50080xf32, #tpu.memory_space<hbm>>
    tpu.enqueue_dma source(%dma_start3A_263 : memref<50080xf32, #tpu.memory_space<hbm>>) target(%dma_start3A_260 : memref<50080xf32, #tpu.memory_space<vmem>>) target_semaphore(%arg15 : memref<!tpu.dma_semaphore, #tpu.memory_space<semaphore_mem>>)
    %dma_wait3A_264 = arith.constant 0 : i32
    %dma_wait3A_265 = tpu.memref_slice %arg11[%dma_wait3A_264] : memref<50080xf32, #tpu.memory_space<vmem>> -> memref<49920xf32, #tpu.memory_space<vmem>>
    %dma_wait3A_266 = arith.constant 0 : i32
    %dma_wait3A_267 = tpu.memref_slice %arg6[%add3A_221, %dma_wait3A_266] : memref<64x100000xf32, #tpu.memory_space<hbm>> -> memref<1x49920xf32, #tpu.memory_space<hbm>>
    %dma_wait3A_268 = tpu.memref_squeeze %dma_wait3A_267 : memref<1x49920xf32, #tpu.memory_space<hbm>> -> memref<49920xf32, #tpu.memory_space<hbm>>
    %dma_wait3A_269 = arith.constant 0 : i32
    %dma_wait3A_270 = tpu.memref_slice %arg11[%dma_wait3A_269] : memref<50080xf32, #tpu.memory_space<vmem>> -> memref<49920xf32, #tpu.memory_space<vmem>>
    %dma_wait3A_271 = arith.constant 0 : i32
    %dma_wait3A_272 = tpu.memref_slice %arg6[%add3A_221, %dma_wait3A_271] : memref<64x100000xf32, #tpu.memory_space<hbm>> -> memref<1x49920xf32, #tpu.memory_space<hbm>>
    %dma_wait3A_273 = tpu.memref_squeeze %dma_wait3A_272 : memref<1x49920xf32, #tpu.memory_space<hbm>> -> memref<49920xf32, #tpu.memory_space<hbm>>
    tpu.wait_dma2 semaphore(%arg14 : memref<!tpu.dma_semaphore, #tpu.memory_space<semaphore_mem>>) src(%dma_wait3A_273 : memref<49920xf32, #tpu.memory_space<hbm>>) dst(%dma_wait3A_270 : memref<49920xf32, #tpu.memory_space<vmem>>)
    %scan3A_274 = arith.constant 0 : i32
    %scan3A_275 = arith.constant 0 : i32
    %scan3A_276 = arith.constant 256 : i32
    %scan3A_277 = arith.addi %scan3A_275, %scan3A_276 : i32
    %scan3A_278 = arith.constant 1 : i32
    scf.for %scan3A_480 = %scan3A_275 to %scan3A_277 step %scan3A_278  : i32 {
      %mul3A_481 = arith.constant 1 : i32
      %mul3A_482 = arith.muli %scan3A_480, %mul3A_481 : i32
      %add3A_483 = arith.constant 0 : i32
      %add3A_484 = arith.addi %mul3A_482, %add3A_483 : i32
      %mul3A_485 = arith.constant 16 : i32
      %mul3A_486 = arith.muli %add3A_484, %mul3A_485 : i32
      %get3A = arith.index_cast %mul3A_486 : i32 to index
      %get3A_487 = tpu.vector_load %arg10[%get3A] {strides = array<i32>} : memref<4096xi32, #tpu.memory_space<vmem>>, vector<16xi32>,
      %lt3A = arith.constant 49920 : i32
      %lt3A_488 = vector.broadcast %lt3A : i32 to vector<16xi32>
      %lt3A_489 = arith.cmpi slt, %get3A_487, %lt3A_488 : vector<16xi32>
      %gather3A = tpu.vector_load_idx %arg11[%get3A_487] masked %lt3A_489 : memref<50080xf32, #tpu.memory_space<vmem>>[vector<16xi32>], vector<16xf32>, vector<16xi1>
      %swap3A = arith.index_cast %mul3A_486 : i32 to index
      %swap3A_490 = tpu.vector_load %arg13[%swap3A] {strides = array<i32>} : memref<4096xf32, #tpu.memory_space<vmem>>, vector<16xf32>,
      tpu.vector_store %arg13[%swap3A], %gather3A {strides = array<i32>} : memref<4096xf32, #tpu.memory_space<vmem>>, vector<16xf32>,
    }
    %scan3A_279 = arith.constant 256 : i32
    %add3A_280 = arith.constant 1 : i32
    %add3A_281 = arith.addi %mul3A_2, %add3A_280 : i32
    %dma_start3A_282 = arith.constant 0 : i32
    %dma_start3A_283 = tpu.memref_slice %arg11[%dma_start3A_282] : memref<50080xf32, #tpu.memory_space<vmem>> -> memref<49920xf32, #tpu.memory_space<vmem>>
    %dma_start3A_284 = arith.constant 0 : i32
    %dma_start3A_285 = tpu.memref_slice %arg6[%add3A_281, %dma_start3A_284] : memref<64x100000xf32, #tpu.memory_space<hbm>> -> memref<1x49920xf32, #tpu.memory_space<hbm>>
    %dma_start3A_286 = tpu.memref_squeeze %dma_start3A_285 : memref<1x49920xf32, #tpu.memory_space<hbm>> -> memref<49920xf32, #tpu.memory_space<hbm>>
    %dma_start3A_287 = arith.constant 0 : i32
    %dma_start3A_288 = tpu.memref_slice %arg11[%dma_start3A_287] : memref<50080xf32, #tpu.memory_space<vmem>> -> memref<49920xf32, #tpu.memory_space<vmem>>
    %dma_start3A_289 = arith.constant 0 : i32
    %dma_start3A_290 = tpu.memref_slice %arg6[%add3A_281, %dma_start3A_289] : memref<64x100000xf32, #tpu.memory_space<hbm>> -> memref<1x49920xf32, #tpu.memory_space<hbm>>
    %dma_start3A_291 = tpu.memref_squeeze %dma_start3A_290 : memref<1x49920xf32, #tpu.memory_space<hbm>> -> memref<49920xf32, #tpu.memory_space<hbm>>
    tpu.enqueue_dma source(%dma_start3A_291 : memref<49920xf32, #tpu.memory_space<hbm>>) target(%dma_start3A_288 : memref<49920xf32, #tpu.memory_space<vmem>>) target_semaphore(%arg14 : memref<!tpu.dma_semaphore, #tpu.memory_space<semaphore_mem>>)
    %dma_wait3A_292 = arith.constant 0 : i32
    %dma_wait3A_293 = tpu.memref_slice %arg12[%dma_wait3A_292] : memref<50080xf32, #tpu.memory_space<vmem>> -> memref<50080xf32, #tpu.memory_space<vmem>>
    %dma_wait3A_294 = arith.constant 49920 : i32
    %dma_wait3A_295 = tpu.memref_slice %arg6[%add3A_253, %dma_wait3A_294] : memref<64x100000xf32, #tpu.memory_space<hbm>> -> memref<1x50080xf32, #tpu.memory_space<hbm>>
    %dma_wait3A_296 = tpu.memref_squeeze %dma_wait3A_295 : memref<1x50080xf32, #tpu.memory_space<hbm>> -> memref<50080xf32, #tpu.memory_space<hbm>>
    %dma_wait3A_297 = arith.constant 0 : i32
    %dma_wait3A_298 = tpu.memref_slice %arg12[%dma_wait3A_297] : memref<50080xf32, #tpu.memory_space<vmem>> -> memref<50080xf32, #tpu.memory_space<vmem>>
    %dma_wait3A_299 = arith.constant 49920 : i32
    %dma_wait3A_300 = tpu.memref_slice %arg6[%add3A_253, %dma_wait3A_299] : memref<64x100000xf32, #tpu.memory_space<hbm>> -> memref<1x50080xf32, #tpu.memory_space<hbm>>
    %dma_wait3A_301 = tpu.memref_squeeze %dma_wait3A_300 : memref<1x50080xf32, #tpu.memory_space<hbm>> -> memref<50080xf32, #tpu.memory_space<hbm>>
    tpu.wait_dma2 semaphore(%arg15 : memref<!tpu.dma_semaphore, #tpu.memory_space<semaphore_mem>>) src(%dma_wait3A_301 : memref<50080xf32, #tpu.memory_space<hbm>>) dst(%dma_wait3A_298 : memref<50080xf32, #tpu.memory_space<vmem>>)
    %scan3A_302 = arith.constant 0 : i32
    %scan3A_303 = arith.constant 0 : i32
    %scan3A_304 = arith.constant 256 : i32
    %scan3A_305 = arith.addi %scan3A_303, %scan3A_304 : i32
    %scan3A_306 = arith.constant 1 : i32
    scf.for %scan3A_480 = %scan3A_303 to %scan3A_305 step %scan3A_306  : i32 {
      %mul3A_481 = arith.constant 1 : i32
      %mul3A_482 = arith.muli %scan3A_480, %mul3A_481 : i32
      %add3A_483 = arith.constant 0 : i32
      %add3A_484 = arith.addi %mul3A_482, %add3A_483 : i32
      %mul3A_485 = arith.constant 16 : i32
      %mul3A_486 = arith.muli %add3A_484, %mul3A_485 : i32
      %get3A = arith.index_cast %mul3A_486 : i32 to index
      %get3A_487 = tpu.vector_load %arg10[%get3A] {strides = array<i32>} : memref<4096xi32, #tpu.memory_space<vmem>>, vector<16xi32>,
      %ge3A = arith.constant 49920 : i32
      %ge3A_488 = vector.broadcast %ge3A : i32 to vector<16xi32>
      %ge3A_489 = arith.cmpi sge, %get3A_487, %ge3A_488 : vector<16xi32>
      %sub3A = arith.constant 49920 : i32
      %sub3A_490 = vector.broadcast %sub3A : i32 to vector<16xi32>
      %sub3A_491 = arith.subi %get3A_487, %sub3A_490 : vector<16xi32>
      %gather3A = tpu.vector_load_idx %arg12[%sub3A_491] masked %ge3A_489 : memref<50080xf32, #tpu.memory_space<vmem>>[vector<16xi32>], vector<16xf32>, vector<16xi1>
      %get3A_492 = arith.index_cast %mul3A_486 : i32 to index
      %get3A_493 = tpu.vector_load %arg13[%get3A_492] {strides = array<i32>} : memref<4096xf32, #tpu.memory_space<vmem>>, vector<16xf32>,
      %select_n3A = arith.select %ge3A_489, %gather3A, %get3A_493 : vector<16xi1>, vector<16xf32>
      %swap3A = arith.index_cast %mul3A_486 : i32 to index
      %swap3A_494 = tpu.vector_load %arg13[%swap3A] {strides = array<i32>} : memref<4096xf32, #tpu.memory_space<vmem>>, vector<16xf32>,
      tpu.vector_store %arg13[%swap3A], %select_n3A {strides = array<i32>} : memref<4096xf32, #tpu.memory_space<vmem>>, vector<16xf32>,
    }
    %scan3A_307 = arith.constant 256 : i32
    %add3A_308 = arith.constant 128 : i32
    %add3A_309 = arith.addi %add3A_308, %mul3A_2 : i32
    %add3A_310 = arith.constant 0 : i32
    %add3A_311 = arith.addi %add3A_309, %add3A_310 : i32
    "tpu.region"() ({
      %run_scoped3A = tpu.sem_alloc : memref<!tpu.dma_semaphore, #tpu.memory_space<semaphore_mem>>
      %dma_start3A_480 = arith.constant 0 : i32
      %dma_start3A_481 = tpu.memref_slice %arg8[%add3A_311, %dma_start3A_480] : memref<256x4096xf32, #tpu.memory_space<hbm>> -> memref<1x4096xf32, #tpu.memory_space<hbm>>
      %dma_start3A_482 = tpu.memref_squeeze %dma_start3A_481 : memref<1x4096xf32, #tpu.memory_space<hbm>> -> memref<4096xf32, #tpu.memory_space<hbm>>
      %dma_start3A_483 = arith.constant 0 : i32
      %dma_start3A_484 = tpu.memref_slice %arg8[%add3A_311, %dma_start3A_483] : memref<256x4096xf32, #tpu.memory_space<hbm>> -> memref<1x4096xf32, #tpu.memory_space<hbm>>
      %dma_start3A_485 = tpu.memref_squeeze %dma_start3A_484 : memref<1x4096xf32, #tpu.memory_space<hbm>> -> memref<4096xf32, #tpu.memory_space<hbm>>
      tpu.enqueue_dma source(%arg13 : memref<4096xf32, #tpu.memory_space<vmem>>) target(%dma_start3A_485 : memref<4096xf32, #tpu.memory_space<hbm>>) target_semaphore(%run_scoped3A : memref<!tpu.dma_semaphore, #tpu.memory_space<semaphore_mem>>)
      %dma_wait3A_486 = arith.constant 0 : i32
      %dma_wait3A_487 = tpu.memref_slice %arg8[%add3A_311, %dma_wait3A_486] : memref<256x4096xf32, #tpu.memory_space<hbm>> -> memref<1x4096xf32, #tpu.memory_space<hbm>>
      %dma_wait3A_488 = tpu.memref_squeeze %dma_wait3A_487 : memref<1x4096xf32, #tpu.memory_space<hbm>> -> memref<4096xf32, #tpu.memory_space<hbm>>
      %dma_wait3A_489 = arith.constant 0 : i32
      %dma_wait3A_490 = tpu.memref_slice %arg8[%add3A_311, %dma_wait3A_489] : memref<256x4096xf32, #tpu.memory_space<hbm>> -> memref<1x4096xf32, #tpu.memory_space<hbm>>
      %dma_wait3A_491 = tpu.memref_squeeze %dma_wait3A_490 : memref<1x4096xf32, #tpu.memory_space<hbm>> -> memref<4096xf32, #tpu.memory_space<hbm>>
      tpu.wait_dma2 semaphore(%run_scoped3A : memref<!tpu.dma_semaphore, #tpu.memory_space<semaphore_mem>>) src(%arg13 : memref<4096xf32, #tpu.memory_space<vmem>>) dst(%dma_wait3A_491 : memref<4096xf32, #tpu.memory_space<hbm>>)
      tpu.yield
    }) : () -> ()
    %add3A_312 = arith.constant 1 : i32
    %add3A_313 = arith.addi %mul3A_2, %add3A_312 : i32
    %dma_start3A_314 = arith.constant 0 : i32
    %dma_start3A_315 = tpu.memref_slice %arg12[%dma_start3A_314] : memref<50080xf32, #tpu.memory_space<vmem>> -> memref<50080xf32, #tpu.memory_space<vmem>>
    %dma_start3A_316 = arith.constant 49920 : i32
    %dma_start3A_317 = tpu.memref_slice %arg6[%add3A_313, %dma_start3A_316] : memref<64x100000xf32, #tpu.memory_space<hbm>> -> memref<1x50080xf32, #tpu.memory_space<hbm>>
    %dma_start3A_318 = tpu.memref_squeeze %dma_start3A_317 : memref<1x50080xf32, #tpu.memory_space<hbm>> -> memref<50080xf32, #tpu.memory_space<hbm>>
    %dma_start3A_319 = arith.constant 0 : i32
    %dma_start3A_320 = tpu.memref_slice %arg12[%dma_start3A_319] : memref<50080xf32, #tpu.memory_space<vmem>> -> memref<50080xf32, #tpu.memory_space<vmem>>
    %dma_start3A_321 = arith.constant 49920 : i32
    %dma_start3A_322 = tpu.memref_slice %arg6[%add3A_313, %dma_start3A_321] : memref<64x100000xf32, #tpu.memory_space<hbm>> -> memref<1x50080xf32, #tpu.memory_space<hbm>>
    %dma_start3A_323 = tpu.memref_squeeze %dma_start3A_322 : memref<1x50080xf32, #tpu.memory_space<hbm>> -> memref<50080xf32, #tpu.memory_space<hbm>>
    tpu.enqueue_dma source(%dma_start3A_323 : memref<50080xf32, #tpu.memory_space<hbm>>) target(%dma_start3A_320 : memref<50080xf32, #tpu.memory_space<vmem>>) target_semaphore(%arg15 : memref<!tpu.dma_semaphore, #tpu.memory_space<semaphore_mem>>)
    %dma_wait3A_324 = arith.constant 0 : i32
    %dma_wait3A_325 = tpu.memref_slice %arg11[%dma_wait3A_324] : memref<50080xf32, #tpu.memory_space<vmem>> -> memref<49920xf32, #tpu.memory_space<vmem>>
    %dma_wait3A_326 = arith.constant 0 : i32
    %dma_wait3A_327 = tpu.memref_slice %arg6[%add3A_281, %dma_wait3A_326] : memref<64x100000xf32, #tpu.memory_space<hbm>> -> memref<1x49920xf32, #tpu.memory_space<hbm>>
    %dma_wait3A_328 = tpu.memref_squeeze %dma_wait3A_327 : memref<1x49920xf32, #tpu.memory_space<hbm>> -> memref<49920xf32, #tpu.memory_space<hbm>>
    %dma_wait3A_329 = arith.constant 0 : i32
    %dma_wait3A_330 = tpu.memref_slice %arg11[%dma_wait3A_329] : memref<50080xf32, #tpu.memory_space<vmem>> -> memref<49920xf32, #tpu.memory_space<vmem>>
    %dma_wait3A_331 = arith.constant 0 : i32
    %dma_wait3A_332 = tpu.memref_slice %arg6[%add3A_281, %dma_wait3A_331] : memref<64x100000xf32, #tpu.memory_space<hbm>> -> memref<1x49920xf32, #tpu.memory_space<hbm>>
    %dma_wait3A_333 = tpu.memref_squeeze %dma_wait3A_332 : memref<1x49920xf32, #tpu.memory_space<hbm>> -> memref<49920xf32, #tpu.memory_space<hbm>>
    tpu.wait_dma2 semaphore(%arg14 : memref<!tpu.dma_semaphore, #tpu.memory_space<semaphore_mem>>) src(%dma_wait3A_333 : memref<49920xf32, #tpu.memory_space<hbm>>) dst(%dma_wait3A_330 : memref<49920xf32, #tpu.memory_space<vmem>>)
    %scan3A_334 = arith.constant 0 : i32
    %scan3A_335 = arith.constant 0 : i32
    %scan3A_336 = arith.constant 256 : i32
    %scan3A_337 = arith.addi %scan3A_335, %scan3A_336 : i32
    %scan3A_338 = arith.constant 1 : i32
    scf.for %scan3A_480 = %scan3A_335 to %scan3A_337 step %scan3A_338  : i32 {
      %mul3A_481 = arith.constant 1 : i32
      %mul3A_482 = arith.muli %scan3A_480, %mul3A_481 : i32
      %add3A_483 = arith.constant 0 : i32
      %add3A_484 = arith.addi %mul3A_482, %add3A_483 : i32
      %mul3A_485 = arith.constant 16 : i32
      %mul3A_486 = arith.muli %add3A_484, %mul3A_485 : i32
      %get3A = arith.index_cast %mul3A_486 : i32 to index
      %get3A_487 = tpu.vector_load %arg10[%get3A] {strides = array<i32>} : memref<4096xi32, #tpu.memory_space<vmem>>, vector<16xi32>,
      %lt3A = arith.constant 49920 : i32
      %lt3A_488 = vector.broadcast %lt3A : i32 to vector<16xi32>
      %lt3A_489 = arith.cmpi slt, %get3A_487, %lt3A_488 : vector<16xi32>
      %gather3A = tpu.vector_load_idx %arg11[%get3A_487] masked %lt3A_489 : memref<50080xf32, #tpu.memory_space<vmem>>[vector<16xi32>], vector<16xf32>, vector<16xi1>
      %swap3A = arith.index_cast %mul3A_486 : i32 to index
      %swap3A_490 = tpu.vector_load %arg13[%swap3A] {strides = array<i32>} : memref<4096xf32, #tpu.memory_space<vmem>>, vector<16xf32>,
      tpu.vector_store %arg13[%swap3A], %gather3A {strides = array<i32>} : memref<4096xf32, #tpu.memory_space<vmem>>, vector<16xf32>,
    }
    %scan3A_339 = arith.constant 256 : i32
    %add3A_340 = arith.constant 0 : i32
    %add3A_341 = arith.addi %mul3A_2, %add3A_340 : i32
    %dma_start3A_342 = arith.constant 0 : i32
    %dma_start3A_343 = tpu.memref_slice %arg11[%dma_start3A_342] : memref<50080xf32, #tpu.memory_space<vmem>> -> memref<49920xf32, #tpu.memory_space<vmem>>
    %dma_start3A_344 = arith.constant 0 : i32
    %dma_start3A_345 = tpu.memref_slice %arg7[%add3A_341, %dma_start3A_344] : memref<64x100000xf32, #tpu.memory_space<hbm>> -> memref<1x49920xf32, #tpu.memory_space<hbm>>
    %dma_start3A_346 = tpu.memref_squeeze %dma_start3A_345 : memref<1x49920xf32, #tpu.memory_space<hbm>> -> memref<49920xf32, #tpu.memory_space<hbm>>
    %dma_start3A_347 = arith.constant 0 : i32
    %dma_start3A_348 = tpu.memref_slice %arg11[%dma_start3A_347] : memref<50080xf32, #tpu.memory_space<vmem>> -> memref<49920xf32, #tpu.memory_space<vmem>>
    %dma_start3A_349 = arith.constant 0 : i32
    %dma_start3A_350 = tpu.memref_slice %arg7[%add3A_341, %dma_start3A_349] : memref<64x100000xf32, #tpu.memory_space<hbm>> -> memref<1x49920xf32, #tpu.memory_space<hbm>>
    %dma_start3A_351 = tpu.memref_squeeze %dma_start3A_350 : memref<1x49920xf32, #tpu.memory_space<hbm>> -> memref<49920xf32, #tpu.memory_space<hbm>>
    tpu.enqueue_dma source(%dma_start3A_351 : memref<49920xf32, #tpu.memory_space<hbm>>) target(%dma_start3A_348 : memref<49920xf32, #tpu.memory_space<vmem>>) target_semaphore(%arg14 : memref<!tpu.dma_semaphore, #tpu.memory_space<semaphore_mem>>)
    %dma_wait3A_352 = arith.constant 0 : i32
    %dma_wait3A_353 = tpu.memref_slice %arg12[%dma_wait3A_352] : memref<50080xf32, #tpu.memory_space<vmem>> -> memref<50080xf32, #tpu.memory_space<vmem>>
    %dma_wait3A_354 = arith.constant 49920 : i32
    %dma_wait3A_355 = tpu.memref_slice %arg6[%add3A_313, %dma_wait3A_354] : memref<64x100000xf32, #tpu.memory_space<hbm>> -> memref<1x50080xf32, #tpu.memory_space<hbm>>
    %dma_wait3A_356 = tpu.memref_squeeze %dma_wait3A_355 : memref<1x50080xf32, #tpu.memory_space<hbm>> -> memref<50080xf32, #tpu.memory_space<hbm>>
    %dma_wait3A_357 = arith.constant 0 : i32
    %dma_wait3A_358 = tpu.memref_slice %arg12[%dma_wait3A_357] : memref<50080xf32, #tpu.memory_space<vmem>> -> memref<50080xf32, #tpu.memory_space<vmem>>
    %dma_wait3A_359 = arith.constant 49920 : i32
    %dma_wait3A_360 = tpu.memref_slice %arg6[%add3A_313, %dma_wait3A_359] : memref<64x100000xf32, #tpu.memory_space<hbm>> -> memref<1x50080xf32, #tpu.memory_space<hbm>>
    %dma_wait3A_361 = tpu.memref_squeeze %dma_wait3A_360 : memref<1x50080xf32, #tpu.memory_space<hbm>> -> memref<50080xf32, #tpu.memory_space<hbm>>
    tpu.wait_dma2 semaphore(%arg15 : memref<!tpu.dma_semaphore, #tpu.memory_space<semaphore_mem>>) src(%dma_wait3A_361 : memref<50080xf32, #tpu.memory_space<hbm>>) dst(%dma_wait3A_358 : memref<50080xf32, #tpu.memory_space<vmem>>)
    %scan3A_362 = arith.constant 0 : i32
    %scan3A_363 = arith.constant 0 : i32
    %scan3A_364 = arith.constant 256 : i32
    %scan3A_365 = arith.addi %scan3A_363, %scan3A_364 : i32
    %scan3A_366 = arith.constant 1 : i32
    scf.for %scan3A_480 = %scan3A_363 to %scan3A_365 step %scan3A_366  : i32 {
      %mul3A_481 = arith.constant 1 : i32
      %mul3A_482 = arith.muli %scan3A_480, %mul3A_481 : i32
      %add3A_483 = arith.constant 0 : i32
      %add3A_484 = arith.addi %mul3A_482, %add3A_483 : i32
      %mul3A_485 = arith.constant 16 : i32
      %mul3A_486 = arith.muli %add3A_484, %mul3A_485 : i32
      %get3A = arith.index_cast %mul3A_486 : i32 to index
      %get3A_487 = tpu.vector_load %arg10[%get3A] {strides = array<i32>} : memref<4096xi32, #tpu.memory_space<vmem>>, vector<16xi32>,
      %ge3A = arith.constant 49920 : i32
      %ge3A_488 = vector.broadcast %ge3A : i32 to vector<16xi32>
      %ge3A_489 = arith.cmpi sge, %get3A_487, %ge3A_488 : vector<16xi32>
      %sub3A = arith.constant 49920 : i32
      %sub3A_490 = vector.broadcast %sub3A : i32 to vector<16xi32>
      %sub3A_491 = arith.subi %get3A_487, %sub3A_490 : vector<16xi32>
      %gather3A = tpu.vector_load_idx %arg12[%sub3A_491] masked %ge3A_489 : memref<50080xf32, #tpu.memory_space<vmem>>[vector<16xi32>], vector<16xf32>, vector<16xi1>
      %get3A_492 = arith.index_cast %mul3A_486 : i32 to index
      %get3A_493 = tpu.vector_load %arg13[%get3A_492] {strides = array<i32>} : memref<4096xf32, #tpu.memory_space<vmem>>, vector<16xf32>,
      %select_n3A = arith.select %ge3A_489, %gather3A, %get3A_493 : vector<16xi1>, vector<16xf32>
      %swap3A = arith.index_cast %mul3A_486 : i32 to index
      %swap3A_494 = tpu.vector_load %arg13[%swap3A] {strides = array<i32>} : memref<4096xf32, #tpu.memory_space<vmem>>, vector<16xf32>,
      tpu.vector_store %arg13[%swap3A], %select_n3A {strides = array<i32>} : memref<4096xf32, #tpu.memory_space<vmem>>, vector<16xf32>,
    }
    %scan3A_367 = arith.constant 256 : i32
    %add3A_368 = arith.constant 128 : i32
    %add3A_369 = arith.addi %add3A_368, %mul3A_2 : i32
    %add3A_370 = arith.constant 1 : i32
    %add3A_371 = arith.addi %add3A_369, %add3A_370 : i32
    "tpu.region"() ({
      %run_scoped3A = tpu.sem_alloc : memref<!tpu.dma_semaphore, #tpu.memory_space<semaphore_mem>>
      %dma_start3A_480 = arith.constant 0 : i32
      %dma_start3A_481 = tpu.memref_slice %arg8[%add3A_371, %dma_start3A_480] : memref<256x4096xf32, #tpu.memory_space<hbm>> -> memref<1x4096xf32, #tpu.memory_space<hbm>>
      %dma_start3A_482 = tpu.memref_squeeze %dma_start3A_481 : memref<1x4096xf32, #tpu.memory_space<hbm>> -> memref<4096xf32, #tpu.memory_space<hbm>>
      %dma_start3A_483 = arith.constant 0 : i32
      %dma_start3A_484 = tpu.memref_slice %arg8[%add3A_371, %dma_start3A_483] : memref<256x4096xf32, #tpu.memory_space<hbm>> -> memref<1x4096xf32, #tpu.memory_space<hbm>>
      %dma_start3A_485 = tpu.memref_squeeze %dma_start3A_484 : memref<1x4096xf32, #tpu.memory_space<hbm>> -> memref<4096xf32, #tpu.memory_space<hbm>>
      tpu.enqueue_dma source(%arg13 : memref<4096xf32, #tpu.memory_space<vmem>>) target(%dma_start3A_485 : memref<4096xf32, #tpu.memory_space<hbm>>) target_semaphore(%run_scoped3A : memref<!tpu.dma_semaphore, #tpu.memory_space<semaphore_mem>>)
      %dma_wait3A_486 = arith.constant 0 : i32
      %dma_wait3A_487 = tpu.memref_slice %arg8[%add3A_371, %dma_wait3A_486] : memref<256x4096xf32, #tpu.memory_space<hbm>> -> memref<1x4096xf32, #tpu.memory_space<hbm>>
      %dma_wait3A_488 = tpu.memref_squeeze %dma_wait3A_487 : memref<1x4096xf32, #tpu.memory_space<hbm>> -> memref<4096xf32, #tpu.memory_space<hbm>>
      %dma_wait3A_489 = arith.constant 0 : i32
      %dma_wait3A_490 = tpu.memref_slice %arg8[%add3A_371, %dma_wait3A_489] : memref<256x4096xf32, #tpu.memory_space<hbm>> -> memref<1x4096xf32, #tpu.memory_space<hbm>>
      %dma_wait3A_491 = tpu.memref_squeeze %dma_wait3A_490 : memref<1x4096xf32, #tpu.memory_space<hbm>> -> memref<4096xf32, #tpu.memory_space<hbm>>
      tpu.wait_dma2 semaphore(%run_scoped3A : memref<!tpu.dma_semaphore, #tpu.memory_space<semaphore_mem>>) src(%arg13 : memref<4096xf32, #tpu.memory_space<vmem>>) dst(%dma_wait3A_491 : memref<4096xf32, #tpu.memory_space<hbm>>)
      tpu.yield
    }) : () -> ()
    %add3A_372 = arith.constant 0 : i32
    %add3A_373 = arith.addi %mul3A_2, %add3A_372 : i32
    %dma_start3A_374 = arith.constant 0 : i32
    %dma_start3A_375 = tpu.memref_slice %arg12[%dma_start3A_374] : memref<50080xf32, #tpu.memory_space<vmem>> -> memref<50080xf32, #tpu.memory_space<vmem>>
    %dma_start3A_376 = arith.constant 49920 : i32
    %dma_start3A_377 = tpu.memref_slice %arg7[%add3A_373, %dma_start3A_376] : memref<64x100000xf32, #tpu.memory_space<hbm>> -> memref<1x50080xf32, #tpu.memory_space<hbm>>
    %dma_start3A_378 = tpu.memref_squeeze %dma_start3A_377 : memref<1x50080xf32, #tpu.memory_space<hbm>> -> memref<50080xf32, #tpu.memory_space<hbm>>
    %dma_start3A_379 = arith.constant 0 : i32
    %dma_start3A_380 = tpu.memref_slice %arg12[%dma_start3A_379] : memref<50080xf32, #tpu.memory_space<vmem>> -> memref<50080xf32, #tpu.memory_space<vmem>>
    %dma_start3A_381 = arith.constant 49920 : i32
    %dma_start3A_382 = tpu.memref_slice %arg7[%add3A_373, %dma_start3A_381] : memref<64x100000xf32, #tpu.memory_space<hbm>> -> memref<1x50080xf32, #tpu.memory_space<hbm>>
    %dma_start3A_383 = tpu.memref_squeeze %dma_start3A_382 : memref<1x50080xf32, #tpu.memory_space<hbm>> -> memref<50080xf32, #tpu.memory_space<hbm>>
    tpu.enqueue_dma source(%dma_start3A_383 : memref<50080xf32, #tpu.memory_space<hbm>>) target(%dma_start3A_380 : memref<50080xf32, #tpu.memory_space<vmem>>) target_semaphore(%arg15 : memref<!tpu.dma_semaphore, #tpu.memory_space<semaphore_mem>>)
    %dma_wait3A_384 = arith.constant 0 : i32
    %dma_wait3A_385 = tpu.memref_slice %arg11[%dma_wait3A_384] : memref<50080xf32, #tpu.memory_space<vmem>> -> memref<49920xf32, #tpu.memory_space<vmem>>
    %dma_wait3A_386 = arith.constant 0 : i32
    %dma_wait3A_387 = tpu.memref_slice %arg7[%add3A_341, %dma_wait3A_386] : memref<64x100000xf32, #tpu.memory_space<hbm>> -> memref<1x49920xf32, #tpu.memory_space<hbm>>
    %dma_wait3A_388 = tpu.memref_squeeze %dma_wait3A_387 : memref<1x49920xf32, #tpu.memory_space<hbm>> -> memref<49920xf32, #tpu.memory_space<hbm>>
    %dma_wait3A_389 = arith.constant 0 : i32
    %dma_wait3A_390 = tpu.memref_slice %arg11[%dma_wait3A_389] : memref<50080xf32, #tpu.memory_space<vmem>> -> memref<49920xf32, #tpu.memory_space<vmem>>
    %dma_wait3A_391 = arith.constant 0 : i32
    %dma_wait3A_392 = tpu.memref_slice %arg7[%add3A_341, %dma_wait3A_391] : memref<64x100000xf32, #tpu.memory_space<hbm>> -> memref<1x49920xf32, #tpu.memory_space<hbm>>
    %dma_wait3A_393 = tpu.memref_squeeze %dma_wait3A_392 : memref<1x49920xf32, #tpu.memory_space<hbm>> -> memref<49920xf32, #tpu.memory_space<hbm>>
    tpu.wait_dma2 semaphore(%arg14 : memref<!tpu.dma_semaphore, #tpu.memory_space<semaphore_mem>>) src(%dma_wait3A_393 : memref<49920xf32, #tpu.memory_space<hbm>>) dst(%dma_wait3A_390 : memref<49920xf32, #tpu.memory_space<vmem>>)
    %scan3A_394 = arith.constant 0 : i32
    %scan3A_395 = arith.constant 0 : i32
    %scan3A_396 = arith.constant 256 : i32
    %scan3A_397 = arith.addi %scan3A_395, %scan3A_396 : i32
    %scan3A_398 = arith.constant 1 : i32
    scf.for %scan3A_480 = %scan3A_395 to %scan3A_397 step %scan3A_398  : i32 {
      %mul3A_481 = arith.constant 1 : i32
      %mul3A_482 = arith.muli %scan3A_480, %mul3A_481 : i32
      %add3A_483 = arith.constant 0 : i32
      %add3A_484 = arith.addi %mul3A_482, %add3A_483 : i32
      %mul3A_485 = arith.constant 16 : i32
      %mul3A_486 = arith.muli %add3A_484, %mul3A_485 : i32
      %get3A = arith.index_cast %mul3A_486 : i32 to index
      %get3A_487 = tpu.vector_load %arg10[%get3A] {strides = array<i32>} : memref<4096xi32, #tpu.memory_space<vmem>>, vector<16xi32>,
      %lt3A = arith.constant 49920 : i32
      %lt3A_488 = vector.broadcast %lt3A : i32 to vector<16xi32>
      %lt3A_489 = arith.cmpi slt, %get3A_487, %lt3A_488 : vector<16xi32>
      %gather3A = tpu.vector_load_idx %arg11[%get3A_487] masked %lt3A_489 : memref<50080xf32, #tpu.memory_space<vmem>>[vector<16xi32>], vector<16xf32>, vector<16xi1>
      %swap3A = arith.index_cast %mul3A_486 : i32 to index
      %swap3A_490 = tpu.vector_load %arg13[%swap3A] {strides = array<i32>} : memref<4096xf32, #tpu.memory_space<vmem>>, vector<16xf32>,
      tpu.vector_store %arg13[%swap3A], %gather3A {strides = array<i32>} : memref<4096xf32, #tpu.memory_space<vmem>>, vector<16xf32>,
    }
    %scan3A_399 = arith.constant 256 : i32
    %add3A_400 = arith.constant 1 : i32
    %add3A_401 = arith.addi %mul3A_2, %add3A_400 : i32
    %dma_start3A_402 = arith.constant 0 : i32
    %dma_start3A_403 = tpu.memref_slice %arg11[%dma_start3A_402] : memref<50080xf32, #tpu.memory_space<vmem>> -> memref<49920xf32, #tpu.memory_space<vmem>>
    %dma_start3A_404 = arith.constant 0 : i32
    %dma_start3A_405 = tpu.memref_slice %arg7[%add3A_401, %dma_start3A_404] : memref<64x100000xf32, #tpu.memory_space<hbm>> -> memref<1x49920xf32, #tpu.memory_space<hbm>>
    %dma_start3A_406 = tpu.memref_squeeze %dma_start3A_405 : memref<1x49920xf32, #tpu.memory_space<hbm>> -> memref<49920xf32, #tpu.memory_space<hbm>>
    %dma_start3A_407 = arith.constant 0 : i32
    %dma_start3A_408 = tpu.memref_slice %arg11[%dma_start3A_407] : memref<50080xf32, #tpu.memory_space<vmem>> -> memref<49920xf32, #tpu.memory_space<vmem>>
    %dma_start3A_409 = arith.constant 0 : i32
    %dma_start3A_410 = tpu.memref_slice %arg7[%add3A_401, %dma_start3A_409] : memref<64x100000xf32, #tpu.memory_space<hbm>> -> memref<1x49920xf32, #tpu.memory_space<hbm>>
    %dma_start3A_411 = tpu.memref_squeeze %dma_start3A_410 : memref<1x49920xf32, #tpu.memory_space<hbm>> -> memref<49920xf32, #tpu.memory_space<hbm>>
    tpu.enqueue_dma source(%dma_start3A_411 : memref<49920xf32, #tpu.memory_space<hbm>>) target(%dma_start3A_408 : memref<49920xf32, #tpu.memory_space<vmem>>) target_semaphore(%arg14 : memref<!tpu.dma_semaphore, #tpu.memory_space<semaphore_mem>>)
    %dma_wait3A_412 = arith.constant 0 : i32
    %dma_wait3A_413 = tpu.memref_slice %arg12[%dma_wait3A_412] : memref<50080xf32, #tpu.memory_space<vmem>> -> memref<50080xf32, #tpu.memory_space<vmem>>
    %dma_wait3A_414 = arith.constant 49920 : i32
    %dma_wait3A_415 = tpu.memref_slice %arg7[%add3A_373, %dma_wait3A_414] : memref<64x100000xf32, #tpu.memory_space<hbm>> -> memref<1x50080xf32, #tpu.memory_space<hbm>>
    %dma_wait3A_416 = tpu.memref_squeeze %dma_wait3A_415 : memref<1x50080xf32, #tpu.memory_space<hbm>> -> memref<50080xf32, #tpu.memory_space<hbm>>
    %dma_wait3A_417 = arith.constant 0 : i32
    %dma_wait3A_418 = tpu.memref_slice %arg12[%dma_wait3A_417] : memref<50080xf32, #tpu.memory_space<vmem>> -> memref<50080xf32, #tpu.memory_space<vmem>>
    %dma_wait3A_419 = arith.constant 49920 : i32
    %dma_wait3A_420 = tpu.memref_slice %arg7[%add3A_373, %dma_wait3A_419] : memref<64x100000xf32, #tpu.memory_space<hbm>> -> memref<1x50080xf32, #tpu.memory_space<hbm>>
    %dma_wait3A_421 = tpu.memref_squeeze %dma_wait3A_420 : memref<1x50080xf32, #tpu.memory_space<hbm>> -> memref<50080xf32, #tpu.memory_space<hbm>>
    tpu.wait_dma2 semaphore(%arg15 : memref<!tpu.dma_semaphore, #tpu.memory_space<semaphore_mem>>) src(%dma_wait3A_421 : memref<50080xf32, #tpu.memory_space<hbm>>) dst(%dma_wait3A_418 : memref<50080xf32, #tpu.memory_space<vmem>>)
    %scan3A_422 = arith.constant 0 : i32
    %scan3A_423 = arith.constant 0 : i32
    %scan3A_424 = arith.constant 256 : i32
    %scan3A_425 = arith.addi %scan3A_423, %scan3A_424 : i32
    %scan3A_426 = arith.constant 1 : i32
    scf.for %scan3A_480 = %scan3A_423 to %scan3A_425 step %scan3A_426  : i32 {
      %mul3A_481 = arith.constant 1 : i32
      %mul3A_482 = arith.muli %scan3A_480, %mul3A_481 : i32
      %add3A_483 = arith.constant 0 : i32
      %add3A_484 = arith.addi %mul3A_482, %add3A_483 : i32
      %mul3A_485 = arith.constant 16 : i32
      %mul3A_486 = arith.muli %add3A_484, %mul3A_485 : i32
      %get3A = arith.index_cast %mul3A_486 : i32 to index
      %get3A_487 = tpu.vector_load %arg10[%get3A] {strides = array<i32>} : memref<4096xi32, #tpu.memory_space<vmem>>, vector<16xi32>,
      %ge3A = arith.constant 49920 : i32
      %ge3A_488 = vector.broadcast %ge3A : i32 to vector<16xi32>
      %ge3A_489 = arith.cmpi sge, %get3A_487, %ge3A_488 : vector<16xi32>
      %sub3A = arith.constant 49920 : i32
      %sub3A_490 = vector.broadcast %sub3A : i32 to vector<16xi32>
      %sub3A_491 = arith.subi %get3A_487, %sub3A_490 : vector<16xi32>
      %gather3A = tpu.vector_load_idx %arg12[%sub3A_491] masked %ge3A_489 : memref<50080xf32, #tpu.memory_space<vmem>>[vector<16xi32>], vector<16xf32>, vector<16xi1>
      %get3A_492 = arith.index_cast %mul3A_486 : i32 to index
      %get3A_493 = tpu.vector_load %arg13[%get3A_492] {strides = array<i32>} : memref<4096xf32, #tpu.memory_space<vmem>>, vector<16xf32>,
      %select_n3A = arith.select %ge3A_489, %gather3A, %get3A_493 : vector<16xi1>, vector<16xf32>
      %swap3A = arith.index_cast %mul3A_486 : i32 to index
      %swap3A_494 = tpu.vector_load %arg13[%swap3A] {strides = array<i32>} : memref<4096xf32, #tpu.memory_space<vmem>>, vector<16xf32>,
      tpu.vector_store %arg13[%swap3A], %select_n3A {strides = array<i32>} : memref<4096xf32, #tpu.memory_space<vmem>>, vector<16xf32>,
    }
    %scan3A_427 = arith.constant 256 : i32
    %add3A_428 = arith.constant 192 : i32
    %add3A_429 = arith.addi %add3A_428, %mul3A_2 : i32
    %add3A_430 = arith.constant 0 : i32
    %add3A_431 = arith.addi %add3A_429, %add3A_430 : i32
    "tpu.region"() ({
      %run_scoped3A = tpu.sem_alloc : memref<!tpu.dma_semaphore, #tpu.memory_space<semaphore_mem>>
      %dma_start3A_480 = arith.constant 0 : i32
      %dma_start3A_481 = tpu.memref_slice %arg8[%add3A_431, %dma_start3A_480] : memref<256x4096xf32, #tpu.memory_space<hbm>> -> memref<1x4096xf32, #tpu.memory_space<hbm>>
      %dma_start3A_482 = tpu.memref_squeeze %dma_start3A_481 : memref<1x4096xf32, #tpu.memory_space<hbm>> -> memref<4096xf32, #tpu.memory_space<hbm>>
      %dma_start3A_483 = arith.constant 0 : i32
      %dma_start3A_484 = tpu.memref_slice %arg8[%add3A_431, %dma_start3A_483] : memref<256x4096xf32, #tpu.memory_space<hbm>> -> memref<1x4096xf32, #tpu.memory_space<hbm>>
      %dma_start3A_485 = tpu.memref_squeeze %dma_start3A_484 : memref<1x4096xf32, #tpu.memory_space<hbm>> -> memref<4096xf32, #tpu.memory_space<hbm>>
      tpu.enqueue_dma source(%arg13 : memref<4096xf32, #tpu.memory_space<vmem>>) target(%dma_start3A_485 : memref<4096xf32, #tpu.memory_space<hbm>>) target_semaphore(%run_scoped3A : memref<!tpu.dma_semaphore, #tpu.memory_space<semaphore_mem>>)
      %dma_wait3A_486 = arith.constant 0 : i32
      %dma_wait3A_487 = tpu.memref_slice %arg8[%add3A_431, %dma_wait3A_486] : memref<256x4096xf32, #tpu.memory_space<hbm>> -> memref<1x4096xf32, #tpu.memory_space<hbm>>
      %dma_wait3A_488 = tpu.memref_squeeze %dma_wait3A_487 : memref<1x4096xf32, #tpu.memory_space<hbm>> -> memref<4096xf32, #tpu.memory_space<hbm>>
      %dma_wait3A_489 = arith.constant 0 : i32
      %dma_wait3A_490 = tpu.memref_slice %arg8[%add3A_431, %dma_wait3A_489] : memref<256x4096xf32, #tpu.memory_space<hbm>> -> memref<1x4096xf32, #tpu.memory_space<hbm>>
      %dma_wait3A_491 = tpu.memref_squeeze %dma_wait3A_490 : memref<1x4096xf32, #tpu.memory_space<hbm>> -> memref<4096xf32, #tpu.memory_space<hbm>>
      tpu.wait_dma2 semaphore(%run_scoped3A : memref<!tpu.dma_semaphore, #tpu.memory_space<semaphore_mem>>) src(%arg13 : memref<4096xf32, #tpu.memory_space<vmem>>) dst(%dma_wait3A_491 : memref<4096xf32, #tpu.memory_space<hbm>>)
      tpu.yield
    }) : () -> ()
    %add3A_432 = arith.constant 1 : i32
    %add3A_433 = arith.addi %mul3A_2, %add3A_432 : i32
    %dma_start3A_434 = arith.constant 0 : i32
    %dma_start3A_435 = tpu.memref_slice %arg12[%dma_start3A_434] : memref<50080xf32, #tpu.memory_space<vmem>> -> memref<50080xf32, #tpu.memory_space<vmem>>
    %dma_start3A_436 = arith.constant 49920 : i32
    %dma_start3A_437 = tpu.memref_slice %arg7[%add3A_433, %dma_start3A_436] : memref<64x100000xf32, #tpu.memory_space<hbm>> -> memref<1x50080xf32, #tpu.memory_space<hbm>>
    %dma_start3A_438 = tpu.memref_squeeze %dma_start3A_437 : memref<1x50080xf32, #tpu.memory_space<hbm>> -> memref<50080xf32, #tpu.memory_space<hbm>>
    %dma_start3A_439 = arith.constant 0 : i32
    %dma_start3A_440 = tpu.memref_slice %arg12[%dma_start3A_439] : memref<50080xf32, #tpu.memory_space<vmem>> -> memref<50080xf32, #tpu.memory_space<vmem>>
    %dma_start3A_441 = arith.constant 49920 : i32
    %dma_start3A_442 = tpu.memref_slice %arg7[%add3A_433, %dma_start3A_441] : memref<64x100000xf32, #tpu.memory_space<hbm>> -> memref<1x50080xf32, #tpu.memory_space<hbm>>
    %dma_start3A_443 = tpu.memref_squeeze %dma_start3A_442 : memref<1x50080xf32, #tpu.memory_space<hbm>> -> memref<50080xf32, #tpu.memory_space<hbm>>
    tpu.enqueue_dma source(%dma_start3A_443 : memref<50080xf32, #tpu.memory_space<hbm>>) target(%dma_start3A_440 : memref<50080xf32, #tpu.memory_space<vmem>>) target_semaphore(%arg15 : memref<!tpu.dma_semaphore, #tpu.memory_space<semaphore_mem>>)
    %dma_wait3A_444 = arith.constant 0 : i32
    %dma_wait3A_445 = tpu.memref_slice %arg11[%dma_wait3A_444] : memref<50080xf32, #tpu.memory_space<vmem>> -> memref<49920xf32, #tpu.memory_space<vmem>>
    %dma_wait3A_446 = arith.constant 0 : i32
    %dma_wait3A_447 = tpu.memref_slice %arg7[%add3A_401, %dma_wait3A_446] : memref<64x100000xf32, #tpu.memory_space<hbm>> -> memref<1x49920xf32, #tpu.memory_space<hbm>>
    %dma_wait3A_448 = tpu.memref_squeeze %dma_wait3A_447 : memref<1x49920xf32, #tpu.memory_space<hbm>> -> memref<49920xf32, #tpu.memory_space<hbm>>
    %dma_wait3A_449 = arith.constant 0 : i32
    %dma_wait3A_450 = tpu.memref_slice %arg11[%dma_wait3A_449] : memref<50080xf32, #tpu.memory_space<vmem>> -> memref<49920xf32, #tpu.memory_space<vmem>>
    %dma_wait3A_451 = arith.constant 0 : i32
    %dma_wait3A_452 = tpu.memref_slice %arg7[%add3A_401, %dma_wait3A_451] : memref<64x100000xf32, #tpu.memory_space<hbm>> -> memref<1x49920xf32, #tpu.memory_space<hbm>>
    %dma_wait3A_453 = tpu.memref_squeeze %dma_wait3A_452 : memref<1x49920xf32, #tpu.memory_space<hbm>> -> memref<49920xf32, #tpu.memory_space<hbm>>
    tpu.wait_dma2 semaphore(%arg14 : memref<!tpu.dma_semaphore, #tpu.memory_space<semaphore_mem>>) src(%dma_wait3A_453 : memref<49920xf32, #tpu.memory_space<hbm>>) dst(%dma_wait3A_450 : memref<49920xf32, #tpu.memory_space<vmem>>)
    %scan3A_454 = arith.constant 0 : i32
    %scan3A_455 = arith.constant 0 : i32
    %scan3A_456 = arith.constant 256 : i32
    %scan3A_457 = arith.addi %scan3A_455, %scan3A_456 : i32
    %scan3A_458 = arith.constant 1 : i32
    scf.for %scan3A_480 = %scan3A_455 to %scan3A_457 step %scan3A_458  : i32 {
      %mul3A_481 = arith.constant 1 : i32
      %mul3A_482 = arith.muli %scan3A_480, %mul3A_481 : i32
      %add3A_483 = arith.constant 0 : i32
      %add3A_484 = arith.addi %mul3A_482, %add3A_483 : i32
      %mul3A_485 = arith.constant 16 : i32
      %mul3A_486 = arith.muli %add3A_484, %mul3A_485 : i32
      %get3A = arith.index_cast %mul3A_486 : i32 to index
      %get3A_487 = tpu.vector_load %arg10[%get3A] {strides = array<i32>} : memref<4096xi32, #tpu.memory_space<vmem>>, vector<16xi32>,
      %lt3A = arith.constant 49920 : i32
      %lt3A_488 = vector.broadcast %lt3A : i32 to vector<16xi32>
      %lt3A_489 = arith.cmpi slt, %get3A_487, %lt3A_488 : vector<16xi32>
      %gather3A = tpu.vector_load_idx %arg11[%get3A_487] masked %lt3A_489 : memref<50080xf32, #tpu.memory_space<vmem>>[vector<16xi32>], vector<16xf32>, vector<16xi1>
      %swap3A = arith.index_cast %mul3A_486 : i32 to index
      %swap3A_490 = tpu.vector_load %arg13[%swap3A] {strides = array<i32>} : memref<4096xf32, #tpu.memory_space<vmem>>, vector<16xf32>,
      tpu.vector_store %arg13[%swap3A], %gather3A {strides = array<i32>} : memref<4096xf32, #tpu.memory_space<vmem>>, vector<16xf32>,
    }
    %scan3A_459 = arith.constant 256 : i32
    %dma_wait3A_460 = arith.constant 0 : i32
    %dma_wait3A_461 = tpu.memref_slice %arg12[%dma_wait3A_460] : memref<50080xf32, #tpu.memory_space<vmem>> -> memref<50080xf32, #tpu.memory_space<vmem>>
    %dma_wait3A_462 = arith.constant 49920 : i32
    %dma_wait3A_463 = tpu.memref_slice %arg7[%add3A_433, %dma_wait3A_462] : memref<64x100000xf32, #tpu.memory_space<hbm>> -> memref<1x50080xf32, #tpu.memory_space<hbm>>
    %dma_wait3A_464 = tpu.memref_squeeze %dma_wait3A_463 : memref<1x50080xf32, #tpu.memory_space<hbm>> -> memref<50080xf32, #tpu.memory_space<hbm>>
    %dma_wait3A_465 = arith.constant 0 : i32
    %dma_wait3A_466 = tpu.memref_slice %arg12[%dma_wait3A_465] : memref<50080xf32, #tpu.memory_space<vmem>> -> memref<50080xf32, #tpu.memory_space<vmem>>
    %dma_wait3A_467 = arith.constant 49920 : i32
    %dma_wait3A_468 = tpu.memref_slice %arg7[%add3A_433, %dma_wait3A_467] : memref<64x100000xf32, #tpu.memory_space<hbm>> -> memref<1x50080xf32, #tpu.memory_space<hbm>>
    %dma_wait3A_469 = tpu.memref_squeeze %dma_wait3A_468 : memref<1x50080xf32, #tpu.memory_space<hbm>> -> memref<50080xf32, #tpu.memory_space<hbm>>
    tpu.wait_dma2 semaphore(%arg15 : memref<!tpu.dma_semaphore, #tpu.memory_space<semaphore_mem>>) src(%dma_wait3A_469 : memref<50080xf32, #tpu.memory_space<hbm>>) dst(%dma_wait3A_466 : memref<50080xf32, #tpu.memory_space<vmem>>)
    %scan3A_470 = arith.constant 0 : i32
    %scan3A_471 = arith.constant 0 : i32
    %scan3A_472 = arith.constant 256 : i32
    %scan3A_473 = arith.addi %scan3A_471, %scan3A_472 : i32
    %scan3A_474 = arith.constant 1 : i32
    scf.for %scan3A_480 = %scan3A_471 to %scan3A_473 step %scan3A_474  : i32 {
      %mul3A_481 = arith.constant 1 : i32
      %mul3A_482 = arith.muli %scan3A_480, %mul3A_481 : i32
      %add3A_483 = arith.constant 0 : i32
      %add3A_484 = arith.addi %mul3A_482, %add3A_483 : i32
      %mul3A_485 = arith.constant 16 : i32
      %mul3A_486 = arith.muli %add3A_484, %mul3A_485 : i32
      %get3A = arith.index_cast %mul3A_486 : i32 to index
      %get3A_487 = tpu.vector_load %arg10[%get3A] {strides = array<i32>} : memref<4096xi32, #tpu.memory_space<vmem>>, vector<16xi32>,
      %ge3A = arith.constant 49920 : i32
      %ge3A_488 = vector.broadcast %ge3A : i32 to vector<16xi32>
      %ge3A_489 = arith.cmpi sge, %get3A_487, %ge3A_488 : vector<16xi32>
      %sub3A = arith.constant 49920 : i32
      %sub3A_490 = vector.broadcast %sub3A : i32 to vector<16xi32>
      %sub3A_491 = arith.subi %get3A_487, %sub3A_490 : vector<16xi32>
      %gather3A = tpu.vector_load_idx %arg12[%sub3A_491] masked %ge3A_489 : memref<50080xf32, #tpu.memory_space<vmem>>[vector<16xi32>], vector<16xf32>, vector<16xi1>
      %get3A_492 = arith.index_cast %mul3A_486 : i32 to index
      %get3A_493 = tpu.vector_load %arg13[%get3A_492] {strides = array<i32>} : memref<4096xf32, #tpu.memory_space<vmem>>, vector<16xf32>,
      %select_n3A = arith.select %ge3A_489, %gather3A, %get3A_493 : vector<16xi1>, vector<16xf32>
      %swap3A = arith.index_cast %mul3A_486 : i32 to index
      %swap3A_494 = tpu.vector_load %arg13[%swap3A] {strides = array<i32>} : memref<4096xf32, #tpu.memory_space<vmem>>, vector<16xf32>,
      tpu.vector_store %arg13[%swap3A], %select_n3A {strides = array<i32>} : memref<4096xf32, #tpu.memory_space<vmem>>, vector<16xf32>,
    }
    %scan3A_475 = arith.constant 256 : i32
    %add3A_476 = arith.constant 192 : i32
    %add3A_477 = arith.addi %add3A_476, %mul3A_2 : i32
    %add3A_478 = arith.constant 1 : i32
    %add3A_479 = arith.addi %add3A_477, %add3A_478 : i32
    "tpu.region"() ({
      %run_scoped3A = tpu.sem_alloc : memref<!tpu.dma_semaphore, #tpu.memory_space<semaphore_mem>>
      %dma_start3A_480 = arith.constant 0 : i32
      %dma_start3A_481 = tpu.memref_slice %arg8[%add3A_479, %dma_start3A_480] : memref<256x4096xf32, #tpu.memory_space<hbm>> -> memref<1x4096xf32, #tpu.memory_space<hbm>>
      %dma_start3A_482 = tpu.memref_squeeze %dma_start3A_481 : memref<1x4096xf32, #tpu.memory_space<hbm>> -> memref<4096xf32, #tpu.memory_space<hbm>>
      %dma_start3A_483 = arith.constant 0 : i32
      %dma_start3A_484 = tpu.memref_slice %arg8[%add3A_479, %dma_start3A_483] : memref<256x4096xf32, #tpu.memory_space<hbm>> -> memref<1x4096xf32, #tpu.memory_space<hbm>>
      %dma_start3A_485 = tpu.memref_squeeze %dma_start3A_484 : memref<1x4096xf32, #tpu.memory_space<hbm>> -> memref<4096xf32, #tpu.memory_space<hbm>>
      tpu.enqueue_dma source(%arg13 : memref<4096xf32, #tpu.memory_space<vmem>>) target(%dma_start3A_485 : memref<4096xf32, #tpu.memory_space<hbm>>) target_semaphore(%run_scoped3A : memref<!tpu.dma_semaphore, #tpu.memory_space<semaphore_mem>>)
      %dma_wait3A_486 = arith.constant 0 : i32
      %dma_wait3A_487 = tpu.memref_slice %arg8[%add3A_479, %dma_wait3A_486] : memref<256x4096xf32, #tpu.memory_space<hbm>> -> memref<1x4096xf32, #tpu.memory_space<hbm>>
      %dma_wait3A_488 = tpu.memref_squeeze %dma_wait3A_487 : memref<1x4096xf32, #tpu.memory_space<hbm>> -> memref<4096xf32, #tpu.memory_space<hbm>>
      %dma_wait3A_489 = arith.constant 0 : i32
      %dma_wait3A_490 = tpu.memref_slice %arg8[%add3A_479, %dma_wait3A_489] : memref<256x4096xf32, #tpu.memory_space<hbm>> -> memref<1x4096xf32, #tpu.memory_space<hbm>>
      %dma_wait3A_491 = tpu.memref_squeeze %dma_wait3A_490 : memref<1x4096xf32, #tpu.memory_space<hbm>> -> memref<4096xf32, #tpu.memory_space<hbm>>
      tpu.wait_dma2 semaphore(%run_scoped3A : memref<!tpu.dma_semaphore, #tpu.memory_space<semaphore_mem>>) src(%arg13 : memref<4096xf32, #tpu.memory_space<vmem>>) dst(%dma_wait3A_491 : memref<4096xf32, #tpu.memory_space<hbm>>)
      tpu.yield
    }) : () -> ()
    return
  }
}

</mosaic_0001>

<sc_bundles>
// kernel: _sc_gather.3.cloned.1.call-start
scs
__scs_entry_jumppad:
0x0: {  	(pc) =	sbr.rel $0x88, $3  }
0x1: {  	(tag) =	ssettag $0x0;
	lr =	simm.s32 $0x1  }
0x2: {  	[smem:$0x3F9B] =	sst lr;
	_ =	strace $0xD0000000  }
0x3: {  	_ = 	snop  }
0x4: {  	_ = 	snop  }
0x5: {  	_ = 	snop  }
0x6: {  	_ = 	snop  }
0x7: {  	_ = 	snop  }
__scs_overlays_trampoline_lowered:
0x8: {  	[smem:$0x3FAA] =	sst s0  }
0x9: {  	[smem:$0x3FAB] =	sst s1  }
0xa: {  	[smem:$0x3FAC] =	sst s2  }
0xb: {  	[smem:$0x3FAD] =	sst s3  }
0xc: {  	[smem:$0x3FAE] =	sst s4  }
0xd: {  	[smem:$0x3FAF] =	sst s5  }
0xe: {  	[smem:$0x3FB0] =	sst s6  }
0xf: {  	[smem:$0x3FB1] =	sst s7  }
0x10: {  	[smem:$0x3FB2] =	sst s8  }
0x11: {  	[smem:$0x3FB3] =	sst s9;
	s0 =	simm.s32 @!p0 $0x0  }
0x12: {  	s1 =	sld [smem:$0x3F99];
	s0 =	simm.s32 @p0 $0x1  }
0x13: {  	[smem:$0x3FB4] =	sst s0;
	s0 =	simm.s32 @!p1 $0x0  }
0x14: {  	s2 =	sld [smem:$0x3F98];
	s0 =	simm.s32 @p1 $0x1  }
0x15: {  	[smem:$0x3FB5] =	sst s0;
	s0 =	simm.s32 @!p2 $0x0  }
0x16: {  	s3 =	sld [smem:$0x3FDB];
	s0 =	simm.s32 @p2 $0x1  }
0x17: {  	s4 =	simm.s32 $0x1BF5;
	[smem:$0x3FB7] =	sst s0  }
0x18: {  	s0 =	sld [smem:$0x3F9A];
	_ =	swait.ge [sflag:s4], $0x0  }
0x19: {  	s7 =	sld [smem:$0x3F9B]  }
0x1a: {  	s8 =	sadd.s32 $0xFFFFE003, lr  }
0x1b: {  	s9 =	sadd.s32 $0xFFFFFEF7, lr;
	s5 =	simm.s32 $0xFFFFFFFF;
	p2 =	slt.u32 s8, $0xFFFFF086  }
0x1c: {  	p1 =	slt.u32 s9, $0xF7A;
	s5 =	simm.s32 @!p2 $0x0  }
0x1d: {  	s5 =	simm.s32 @p1 $0x1;
	p0 =	seq.s32 s7, s2  }
0x1e: {  	s7 =	smul.u32 @!p0 $0xF7A, s2;
	p2 =	seq.s32 @!p0 s5, $0x0  }
0x1f: {  	s9 =	smul.u32 $0xF7A, s1;
	s8 =	simm.s32 @!p0 $0x1BF5;
	p2 =	por !p2, p0  }
0x20: {  	[sflag:s8] =	ssyncset.s32 @!p0 $0xFFFFF086;
	s6 =	sadd.s32 @!p0 s3, s7;
	s7 =	simm.s32 @!p0 $0x108  }
0x21: {  	s3 =	sadd.s32 s3, s9;
	s6 =	sadd.s32 @!p0 $0x88, s6;
	s7 =	simm.s32 @p2 $0x1082  }
0x22: {  	[simem:s7], [sflag:s8] =	dma.local @!p0 [hbm:s6], $0xF7A  }
0x23: {  	s9 =	sor.u32 $0xD0000000, s2;
	s6 =	simm.s32 $0x108;
	_ =	swait.ge @!p0 [sflag:s8], $0x0  }
0x24: {  	s3 =	sadd.s32 $0x88, s3;
	s6 =	simm.s32 @!p1 $0x1082;
	[sflag:s4] =	ssyncset.s32 $0xFFFFF086  }
0x25: {  	[simem:s6], [sflag:s4] =	dma.local [hbm:s3], $0xF7A  }
0x26: {  	[smem:$0x3F9B] =	sst s1;
	(tag) =	ssettag s2;
	_ =	strace s9  }
0x27: {  	s1 =	sld [smem:$0x3FAB]  }
0x28: {  	s2 =	sld [smem:$0x3FAC]  }
0x29: {  	s4 =	sld [smem:$0x3FAE]  }
0x2a: {  	p0 =	seq.s32 s5, $0x0;
	s5 =	sld [smem:$0x3FAF]  }
0x2b: {  	s6 =	sld [smem:$0x3FB0]  }
0x2c: {  	s7 =	sld [smem:$0x3FB1]  }
0x2d: {  	s3 =	simm.s32 $0x108;
	s8 =	sld [smem:$0x3FB2]  }
0x2e: {  	s3 =	simm.s32 @!p0 $0x1082;
	s9 =	sld [smem:$0x3FB3]  }
0x2f: {  	lr =	sadd.s32 s0, s3;
	s0 =	sld [smem:$0x3FAA]  }
0x30: {  	s3 =	sld [smem:$0x3FAD]  }
0x31: {  	[smem:$0x3FB6] =	sst s10  }
0x32: {  	s10 =	sld [smem:$0x3FB4];
	_ =	sdelay $0x3  }
0x33: {  	p0 =	seq.s32 s10, $0x1;
	s10 =	sld [smem:$0x3FB6];
	_ =	sdelay $0x3  }
0x34: {  	[smem:$0x3FB6] =	sst s10  }
0x35: {  	s10 =	sld [smem:$0x3FB5];
	_ =	sdelay $0x3  }
0x36: {  	p1 =	seq.s32 s10, $0x1;
	s10 =	sld [smem:$0x3FB6];
	_ =	sdelay $0x3  }
0x37: {  	[smem:$0x3FB6] =	sst s10  }
0x38: {  	s10 =	sld [smem:$0x3FB7]  }
0x39: {  	_ = 	snop;
	(pc) =	sbr.ind lr, $3  }
0x3a: {  	_ = 	snop  }
0x3b: {  	_ = 	snop  }
0x3c: {  	p2 =	seq.s32 s10, $0x1;
	s10 =	sld [smem:$0x3FB6]  }
0x3d: {  	_ =	shalt  }
0x3e: {  	_ =	shalt  }
0x3f: {  	_ =	shalt  }
0x40: {  	_ =	shalt  }
0x41: {  	_ =	shalt  }
0x42: {  	_ =	shalt  }
0x43: {  	_ =	shalt  }
0x44: {  	_ =	shalt  }
0x45: {  	_ =	shalt  }
0x46: {  	_ =	shalt  }
0x47: {  	_ =	shalt  }
0x48: {  	_ =	shalt  }
0x49: {  	_ =	shalt  }
0x4a: {  	_ =	shalt  }
0x4b: {  	_ =	shalt  }
0x4c: {  	_ =	shalt  }
0x4d: {  	_ =	shalt  }
0x4e: {  	_ =	shalt  }
0x4f: {  	_ =	shalt  }
0x50: {  	_ =	shalt  }
0x51: {  	_ =	shalt  }
0x52: {  	_ =	shalt  }
0x53: {  	_ =	shalt  }
0x54: {  	_ =	shalt  }
0x55: {  	_ =	shalt  }
0x56: {  	_ =	shalt  }
0x57: {  	_ =	shalt  }
0x58: {  	_ =	shalt  }
0x59: {  	_ =	shalt  }
0x5a: {  	_ =	shalt  }
0x5b: {  	_ =	shalt  }
0x5c: {  	_ =	shalt  }
0x5d: {  	_ =	shalt  }
0x5e: {  	_ =	shalt  }
0x5f: {  	_ =	shalt  }
0x60: {  	_ =	shalt  }
0x61: {  	_ =	shalt  }
0x62: {  	_ =	shalt  }
0x63: {  	_ =	shalt  }
0x64: {  	_ =	shalt  }
0x65: {  	_ =	shalt  }
0x66: {  	_ =	shalt  }
0x67: {  	_ =	shalt  }
0x68: {  	_ =	shalt  }
0x69: {  	_ =	shalt  }
0x6a: {  	_ =	shalt  }
0x6b: {  	_ =	shalt  }
0x6c: {  	_ =	shalt  }
0x6d: {  	_ =	shalt  }
0x6e: {  	_ =	shalt  }
0x6f: {  	_ =	shalt  }
0x70: {  	_ =	shalt  }
0x71: {  	_ =	shalt  }
0x72: {  	_ =	shalt  }
0x73: {  	_ =	shalt  }
0x74: {  	_ =	shalt  }
0x75: {  	_ =	shalt  }
0x76: {  	_ =	shalt  }
0x77: {  	_ =	shalt  }
0x78: {  	_ =	shalt  }
0x79: {  	_ =	shalt  }
0x7a: {  	_ =	shalt  }
0x7b: {  	_ =	shalt  }
0x7c: {  	_ =	shalt  }
0x7d: {  	_ =	shalt  }
0x7e: {  	_ =	shalt  }
0x7f: {  	_ =	shalt  }
0x80: {  	_ =	shalt  }
0x81: {  	_ =	shalt  }
0x82: {  	_ =	shalt  }
0x83: {  	_ =	shalt  }
0x84: {  	_ =	shalt  }
0x85: {  	_ =	shalt  }
0x86: {  	_ =	shalt  }
0x87: {  	_ =	shalt  }
.Lfunc_end0:
.L_simem_size_0:
called_computation_lowered:
.L_overlay_start_0:
0x88: {  	s2 =	sld [smem:$0x3FD9]  }
0x89: {  	s3 =	sld [smem:$0x3FFE];
	_ =	sdelay $0x1  }
0x8a: {  	s1 =	srdreg.scid  }
0x8b: {  	s0 =	sand.u32 $0x1, s1  }
0x8c: {  	s18 =	sshll.u32 s0, $0xA;
	s2 =	sadd.s32 s3, s2  }
0x8d: {  	s2 =	sadd.s32 s2, s18  }
0x8e: {  	[smem:$0x3FC2] =	sst s2  }
0x8f: {  	_ = 	snop  }
0x90: {  	s2 =	sld [smem:$0x3FC9]  }
0x91: {  	s19 =	sld [smem:$0x3FC8]  }
0x92: {  	s4 =	sld [smem:$0x3FC7]  }
0x93: {  	s5 =	sld [smem:$0x3FC6]  }
0x94: {  	s6 =	sld [smem:$0x3FC5]  }
0x95: {  	s7 =	sld [smem:$0x3FC4]  }
0x96: {  	s8 =	sld [smem:$0x3FD0];
	(tm) =	ssettm $0x1  }
0x97: {  	s9 =	sld [smem:$0x3FFB];
	_ =	sdelay $0x3  }
0x98: {  	_ =	strace s9  }
0x99: {  	s9 =	sld [smem:$0x3FFC];
	_ =	sdelay $0x3  }
0x9a: {  	_ =	strace s9  }
0x9b: {  	s9 =	sld [smem:$0x3FFD];
	_ =	sdelay $0x3  }
0x9c: {  	_ =	strace s9  }
0x9d: {  	_ =	strace $0x8FFFFFFF  }
0x9e: {  	s20 =	sld [smem:$0x3FDB];
	_ =	sdelay $0x1  }
0x9f: {  	s10 =	simm.s32 $_scs_section_size  }
0xa0: {  	s11 =	simm.s32 $_size__tile_overlayer_lowered;
	s12 =	simm.s32 $_tile_overlayer_lowered  }
0xa1: {  	s23 =	simm.s32 $0x1BFF;
	s22 =	sshll.u32 s12, $0x1;
	s9 =	sadd.s32 s10, s20  }
0xa2: {  	s13 =	simm.s32 $0x0;
	s21 =	sshll.u32 s11, $0x1;
	s11 =	sadd.s32 s22, s9  }
0xa3: {  	[timem:s13], [sflag:s23] =	dma.local [hbm:s11], s21  }
0xa4: {  	_ =	swait.ge [sflag:s23], s21  }
0xa5: {  	s10 =	ssub.s32 $0x0, s21;
	[sflag:s23] =	ssyncset.done $0x0  }
0xa6: {  	[sflag:s23] =	ssyncadd.s32 s10;
	_ =	sdelay $0x1  }
0xa7: {  	s24 =	simm.s32 $0x1B8B  }
0xa8: {  	_ =	swait.ge [sflag:s24], $0x1  }
0xa9: {  	[sflag:s24] =	ssyncset.done $0x0  }
0xaa: {  	s25 =	simm.s32 $0x1B8E;
	[sflag:s24] =	ssyncadd.s32 $0xFFFFFFFF  }
0xab: {  	s26 =	simm.s32 $execute0_lowered;
	[smem:$0x3FD2] =	sst s25  }
0xac: {  	s10 =	sshll.u32 s26, $0x1;
	_ =	strace $0x80000046;
	[dreg:$0x1] =	wrdreg $0xFFFFFFFF  }
0xad: {  	s28 =	simm.s32 $_size_execute0_lowered;
	s9 =	sadd.s32 s9, s10;
	[dreg:$0x0] =	wrdreg $0x0  }
0xae: {  	s10 =	sshll.u32 s28, $0x1;
	[dreg:$0x2] =	wrdreg s9  }
0xaf: {  	[dreg:$0x3] =	wrdreg s10  }
0xb0: {  	[dreg:$0x4] =	wrdreg $0xC0  }
0xb1: {  	_ =	task [dreg:s13], $0x5FFFF  }
0xb2: {  	[dreg:$0x1] =	wrdreg $0xFFFFFFFF  }
0xb3: {  	[dreg:$0x0] =	wrdreg $0x60  }
0xb4: {  	[dreg:$0x2] =	wrdreg s2  }
0xb5: {  	[dreg:$0x3] =	wrdreg s19  }
0xb6: {  	[dreg:$0x4] =	wrdreg s4  }
0xb7: {  	[dreg:$0x5] =	wrdreg s5  }
0xb8: {  	[dreg:$0x6] =	wrdreg s6  }
0xb9: {  	[dreg:$0x7] =	wrdreg s7  }
0xba: {  	[dreg:$0x8] =	wrdreg s8  }
0xbb: {  	[dreg:$0x9] =	wrdreg $0x9  }
0xbc: {  	_ =	task.clear_ibuf [dreg:s13], $0xAFFFF;
	_ =	strace $0x90000046  }
0xbd: {  	s29 =	simm.s32 $0x9;
	_ =	strace $0x80000048  }
0xbe: {  	_ =	swait.ge [sflag:s29], $0x1  }
0xbf: {  	[sflag:s29] =	ssyncadd.s32 $0xFFFFFFFF  }
0xc0: {  	_ =	strace $0x90000048  }
0xc1: {  	_ =	sfence  }
0xc2: {  	s30 =	sld [smem:$0x0];
	_ =	sdelay $0x2  }
0xc3: {  	s31 =	sshll.u32 s1, $0xD;
	s1 =	sshrl.u32 s1, $0x2  }
0xc4: {  	s3 =	sand.u32 $0x4000, s31;
	s1 =	sadd.s32 s1, s30  }
0xc5: {  	s0 =	sor.u32 s3, s0;
	s1 =	sshll.u32 s1, $0x11  }
0xc6: {  	s0 =	sor.u32 s1, s0  }
0xc7: {  	s0 =	sadd.s32 $0x8F2B, s0  }
0xc8: {  	[sflag:s0] =	ssyncadd.remote.s32 $0x1  }
0xc9: {  	_ =	sfence.sel $0xFFFF  }
0xca: {  	[dreg:$0x0] =	wrdreg $0xFFFFFFFF;
	(pc) =	sbr.abs _section_cstart, $3  }
0xcb: {  	[dreg:$0x1] =	wrdreg $0xFFFFFFFF  }
0xcc: {  	_ =	task.clear_ibuf [dreg:s13], $0x2FFFF;
	_ =	strace $0x9FFFFFFF  }
0xcd: {  	(tm) =	ssettm $0x7FFFFFFF  }
tec
execute0_lowered:
.L_overlay_start_1:
0x0: {  	(tag) =	ssettag $0x1  }
0x1: {  	s4 =	rddreg [dreg:$0x2]  }
0x2: {  	s3 =	rddreg [dreg:$0x3]  }
0x3: {  	s1 =	rddreg [dreg:$0x4]  }
0x4: {  	s2 =	srdreg.scid;
	s0 =	rddreg [dreg:$0x5]  }
0x5: {  	s12 =	stileid.u32;
	s5 =	rddreg [dreg:$0x6]  }
0x6: {  	s10 =	simm.s32 $0x0;
	s31 =	simm.s32 $0x3;
	s2 =	sand.u32 $0x1, s2  }
0x7: {  	s6 =	sshll.u32 s12, $0x2;
	s20 =	sshrl.u32 s12, $0x1;
	[smem:$0x7FF] =	sst s10  }
0x8: {  	s22 =	sshll.u32 s12, $0xE;
	s7 =	sshll.u32 s2, $0x1;
	s2 =	ssub.s32 $0x2, s2  }
0x9: {  	s9 =	smul.u32 $0xC3800, s20;
	s6 =	sor.u32 s7, s6;
	s21 =	sshrl.u32 s2, $0x1  }
0xa: {  	s7 =	sshll.u32 s20, $0xF;
	s8 =	sshll.u32 s6, $0x7;
	s2 =	ssub.s32 s2, s21  }
0xb: {  	s24 =	sadd.s32 $0x61800, s9;
	s15 =	sor.u32 $0x41, s6;
	s11 =	sand.u32 $0x300, s8  }
0xc: {  	s8 =	sor.u32 s22, s8;
	s17 =	sshll.u32 s15, $0x4;
	s22 =	sor.u32 $0x81, s6  }
0xd: {  	s6 =	sor.u32 $0xC1, s6;
	s30 =	smax.u32 s2, $0x1;
	s2 =	simm.s32 $0x2  }
0xe: {  	s23 =	sor.u32 s9, s11;
	s25 =	sor.u32 s24, s11;
	s13 =	sor.u32 $0x80, s11  }
0xf: {  	s26 =	sor.u32 s7, s11;
	s16 =	sand.u32 $0x38300, s8;
	s8 =	sand.u32 $0x70, s17  }
0x10: {  	s18 =	sshrl.u32 s23, $0x3;
	s19 =	sshrl.u32 s25, $0x3;
	s9 =	sor.u32 s9, s13  }
0x11: {  	s10 =	sor.u32 s24, s13;
	s7 =	sor.u32 s7, s13;
	s8 =	sadd.s32 s5, s8  }
0x12: {  	s23 =	sshll.u32 s22, $0x4;
	s24 =	sshll.u32 s22, $0x9;
	s12 =	sadd.s32 s4, s18  }
0x13: {  	s20 =	sshrl.u32 s9, $0x3;
	s9 =	sshrl.u32 s26, $0x3;
	s21 =	sshrl.u32 s10, $0x3  }
0x14: {  	s13 =	sadd.s32 s3, s18;
	s14 =	sshrl.u32 s7, $0x3;
	s7 =	sshrl.u32 s16, $0x3  }
0x15: {  	s26 =	sshll.u32 s6, $0x9;
	[dreg:$0x8] =	wrdreg s12;
	s12 =	sadd.s32 s4, s19  }
0x16: {  	s9 =	sadd.s32 s5, s9;
	[dreg:$0xd] =	wrdreg s13;
	s10 =	sadd.s32 s3, s20  }
0x17: {  	s7 =	sadd.s32 s7, s5;
	s16 =	sadd.s32 s1, s20;
	s17 =	sadd.s32 s1, s21  }
0x18: {  	s22 =	sadd.s32 s0, s20;
	[dreg:$0x9] =	wrdreg s12;
	s12 =	sadd.s32 s4, s20  }
0x19: {  	[dreg:$0xb] =	wrdreg s9;
	s4 =	sadd.s32 s4, s21;
	s9 =	sadd.s32 s3, s19  }
0x1a: {  	s28 =	sadd.s32 $0x10000, s7;
	s29 =	sadd.s32 $0x18000, s7;
	[dreg:$0xa] =	wrdreg s12  }
0x1b: {  	s20 =	simm.s32 $0xE400;
	[dreg:$0xc] =	wrdreg s4;
	s4 =	sadd.s32 s5, s14  }
0x1c: {  	s14 =	sshll.u32 s6, $0x4;
	s12 =	sadd.s32 s3, s21;
	[dreg:$0xe] =	wrdreg s4  }
0x1d: {  	s4 =	sshll.u32 s15, $0x9;
	s25 =	sand.u32 $0x70, s14;
	s14 =	sadd.s32 s1, s18  }
0x1e: {  	s15 =	sadd.s32 s1, s19;
	s18 =	sadd.s32 s0, s18;
	s19 =	sadd.s32 s0, s19  }
0x1f: {  	s1 =	sand.u32 $0x1F000, s26;
	s26 =	sadd.s32 $0x8000, s7;
	s4 =	sand.u32 $0xF000, s4  }
0x20: {  	s3 =	sadd.s32 s5, s25;
	_ =	strace $0x80000047;
	s11 =	sadd.s32 s4, s8  }
0x21: {  	s4 =	sand.u32 $0x70, s23;
	s8 =	sand.u32 $0x17000, s24;
	s24 =	sadd.s32 s0, s21  }
0x22: {  	s25 =	sadd.s32 s1, s3;
	s0 =	simm.s32 $0x80;
	s21 =	simm.s32 $0x400  }
0x23: {  	s23 =	simm.s32 $0x2000;
	s1 =	simm.s32 $0x1;
	s4 =	sadd.s32 s5, s4  }
0x24: {  	s3 =	simm.s32 $0x1A800;
	s13 =	sadd.s32 s8, s4;
	s4 =	simm.s32 $0x0  }
.LBB2_1:
0x25: {  	s5 =	simm.s32 $0x0;
	s6 =	rddreg [dreg:$0x0]  }
0x26: {  	[tilespmem:s5], [sflag:$0x3] =	stream.linear.gather [hbm4b:s6+s5], $0x1000, $0x38;
	[tilespmem:$0x1B800] =	vst v63  }
0x27: {  	_ =	swait.ge [sflag:s31], $0x1000  }
0x28: {  	[sflag:s31] =	ssyncset.done $0x0  }
0x29: {  	[sflag:s31] =	ssyncadd.s32 $0xFFFFF000  }
0x2a: {  	s7 =	simm.s32 $0x1000;
	s8 =	rddreg [dreg:$0x1]  }
0x2b: {  	[tilespmem:s7], [sflag:$0x3] =	stream.linear.gather [hbm4b:s8+s5], $0x1000, $0x38;
	[tilespmem:$0x1B800] =	vst v63  }
0x2c: {  	_ =	swait.ge [sflag:s31], $0x1000  }
0x2d: {  	[sflag:s31] =	ssyncset.done $0x0  }
0x2e: {  	s7 =	rddreg [dreg:$0x8];
	[sflag:s31] =	ssyncadd.s32 $0xFFFFF000  }
0x2f: {  	[tilespmem:s23], [sflag:$0x1] =	stream.strided.gather [hbm4b:s7+s0], $0xC300, s21, s0, $0x38;
	[tilespmem:$0x1B800] =	vst v63  }
0x30: {  	s8 =	rddreg [dreg:$0x9]  }
0x31: {  	[tilespmem:s20], [sflag:$0x2] =	stream.strided.gather [hbm4b:s8+s0], $0xC400, s21, s0, $0x38;
	[tilespmem:$0x1B800] =	vst v63  }
0x32: {  	_ =	swait.ge [sflag:s1], $0xC300  }
0x33: {  	[sflag:s1] =	ssyncset.done $0x0  }
0x34: {  	s5 =	simm.s32 $0x0;
	[sflag:s1] =	ssyncadd.s32 $0xFFFF3D00  }
0x35: {  	v1 =	vld [tilespmem:s5+$0x0];
	_ =	sdelay $0x4  }
0x36: {  	vm0 =	vlt.s32 v1, $0xC300  }
0x37: {  	s6 =	simm.s32 $0x10  }
0x38: {  	v0 =	vld [tilespmem:s6+$0x0];
	_ =	sdelay $0x3  }
0x39: {  	v1 =	vld.idx.msk [tilespmem:v1+s23+$0x0], vm0  }
0x3a: {  	vm0 =	vlt.s32 v0, $0xC300;
	_ =	sdelay $0x1  }
0x3b: {  	s7 =	simm.s32 $0xC0;
	s8 =	simm.s32 $0x20  }
.LBB2_2:
0x3c: {  	p0 =	sne.s32 s7, $0x3FC0;
	v2 =	vld [tilespmem:s8+$0x0]  }
0x3d: {  	[tilespmem:s5+$0x1A800] =	vst v1;
	s5 =	smov.u32 s6;
	s6 =	smov.u32 s8;
	_ =	sdelay $0x1  }
.Ltmp0:
0x3e: {  	v1 =	vld.idx.msk [tilespmem:v0+s23+$0x0], vm0;
	(pc) =	sbr.rel @p0 .LBB2_2-.Ltmp0, $3  }
0x3f: {  	_ = 	snop  }
0x40: {  	vm0 =	vlt.s32 v2, $0xC300;
	v0 =	vmov v2;
	_ =	sdelay $0x1  }
0x41: {  	s8 =	sshra.s32 s7, $0x2;
	s7 =	sadd.s32 $0x40, s7  }
0x42: {  	v2 =	vld [tilespmem:s8+$0x0];
	_ =	sdelay $0x3  }
0x43: {  	[tilespmem:s5+$0x1A800] =	vst v1  }
0x44: {  	v0 =	vld.idx.msk [tilespmem:v0+s23+$0x0], vm0;
	vm0 =	vlt.s32 v2, $0xC300;
	_ =	sdelay $0x4  }
0x45: {  	[tilespmem:s6+$0x1A800] =	vst v0  }
0x46: {  	v0 =	vld.idx.msk [tilespmem:v2+s23+$0x0], vm0;
	_ =	sdelay $0x4  }
0x47: {  	[tilespmem:s8+$0x1A800] =	vst v0;
	s8 =	rddreg [dreg:$0xa]  }
0x48: {  	[tilespmem:s23], [sflag:$0x1] =	stream.strided.gather [hbm4b:s8+s0], $0xC300, s21, s0, $0x38;
	[tilespmem:$0x1B800] =	vst v63  }
0x49: {  	_ =	swait.ge [sflag:s2], $0xC400  }
0x4a: {  	[sflag:s2] =	ssyncset.done $0x0  }
0x4b: {  	s6 =	simm.s32 $0x0;
	[sflag:s2] =	ssyncadd.s32 $0xFFFF3C00  }
0x4c: {  	v0 =	vld [tilespmem:s6+$0x0];
	_ =	sdelay $0x4  }
0x4d: {  	vm0 =	vgt.s32 v0, $0xC2FF  }
0x4e: {  	v0 =	vadd.s32 $0xFFFF3D00, v0  }
0x4f: {  	s5 =	simm.s32 $0x10  }
0x50: {  	v1 =	vld [tilespmem:s5+$0x0];
	_ =	sdelay $0x1  }
0x51: {  	v2 =	vld [tilespmem:s6+$0x1A800]  }
0x52: {  	v0 =	vld.idx.msk [tilespmem:v0+s20+$0x0], vm0;
	_ =	sdelay $0x1  }
0x53: {  	vm1 =	vmmov vm0;
	vm0 =	vgt.s32 v1, $0xC2FF;
	v1 =	vadd.s32 $0xFFFF3D00, v1  }
0x54: {  	s7 =	simm.s32 $0x20;
	s8 =	simm.s32 $0xC0  }
.LBB2_4:
0x55: {  	p0 =	sne.s32 s8, $0x3FC0;
	v3 =	vld [tilespmem:s7+$0x0]  }
0x56: {  	v0 =	vsel vm1, v0, v2;
	vm1 =	vmmov vm0  }
0x57: {  	[tilespmem:s6+$0x1A800] =	vst v0;
	s6 =	smov.u32 s5;
	s5 =	smov.u32 s7  }
.Ltmp1:
0x58: {  	v0 =	vld.idx.msk [tilespmem:v1+s20+$0x0], vm0;
	(pc) =	sbr.rel @p0 .LBB2_4-.Ltmp1, $4  }
0x59: {  	v2 =	vld [tilespmem:s6+$0x1A800]  }
0x5a: {  	vm0 =	vgt.s32 v3, $0xC2FF  }
0x5b: {  	v1 =	vadd.s32 $0xFFFF3D00, v3  }
0x5c: {  	s7 =	sshra.s32 s8, $0x2;
	s8 =	sadd.s32 $0x40, s8  }
0x5d: {  	_ =	sdelay $0x2  }
0x5e: {  	v3 =	vld [tilespmem:s7+$0x0];
	v0 =	vsel vm1, v0, v2  }
0x5f: {  	[tilespmem:s6+$0x1A800] =	vst v0  }
0x60: {  	v0 =	vld.idx.msk [tilespmem:v1+s20+$0x0], vm0  }
0x61: {  	v1 =	vld [tilespmem:s5+$0x1A800];
	_ =	sdelay $0x1  }
0x62: {  	vm1 =	vgt.s32 v3, $0xC2FF  }
0x63: {  	v2 =	vadd.s32 $0xFFFF3D00, v3  }
0x64: {  	vm0 =	vmmov vm0  }
0x65: {  	v0 =	vsel vm0, v0, v1  }
0x66: {  	[tilespmem:s5+$0x1A800] =	vst v0  }
0x67: {  	v1 =	vld [tilespmem:s7+$0x1A800]  }
0x68: {  	v0 =	vld.idx.msk [tilespmem:v2+s20+$0x0], vm1;
	_ =	sdelay $0x3  }
0x69: {  	vm0 =	vmmov vm1  }
0x6a: {  	v0 =	vsel vm0, v0, v1  }
0x6b: {  	[tilespmem:s7+$0x1A800] =	vst v0;
	s7 =	rddreg [dreg:$0xb]  }
0x6c: {  	[hbm4b:s7+s0] =	stream.strided.scatter [tilespmem:s3], [sflag:$0x3], $0x1000, s21, s0, $0x38;
	[tilespmem:$0x1B800] =	vst v63  }
0x6d: {  	_ =	swait.ge [sflag:s31], $0x1000  }
0x6e: {  	[sflag:s31] =	ssyncset.done $0x0  }
0x6f: {  	s8 =	rddreg [dreg:$0xc];
	[sflag:s31] =	ssyncadd.s32 $0xFFFFF000  }
0x70: {  	[tilespmem:s20], [sflag:$0x2] =	stream.strided.gather [hbm4b:s8+s0], $0xC400, s21, s0, $0x38;
	[tilespmem:$0x1B800] =	vst v63  }
0x71: {  	_ =	swait.ge [sflag:s1], $0xC300  }
0x72: {  	[sflag:s1] =	ssyncset.done $0x0  }
0x73: {  	s5 =	simm.s32 $0x0;
	[sflag:s1] =	ssyncadd.s32 $0xFFFF3D00  }
0x74: {  	v1 =	vld [tilespmem:s5+$0x0];
	_ =	sdelay $0x4  }
0x75: {  	vm0 =	vlt.s32 v1, $0xC300  }
0x76: {  	s6 =	simm.s32 $0x10  }
0x77: {  	v0 =	vld [tilespmem:s6+$0x0];
	_ =	sdelay $0x3  }
0x78: {  	v1 =	vld.idx.msk [tilespmem:v1+s23+$0x0], vm0  }
0x79: {  	vm0 =	vlt.s32 v0, $0xC300;
	_ =	sdelay $0x1  }
0x7a: {  	s7 =	simm.s32 $0xC0;
	s8 =	simm.s32 $0x20  }
.LBB2_6:
0x7b: {  	p0 =	sne.s32 s7, $0x3FC0;
	v2 =	vld [tilespmem:s8+$0x0]  }
0x7c: {  	[tilespmem:s5+$0x1A800] =	vst v1;
	s5 =	smov.u32 s6;
	s6 =	smov.u32 s8;
	_ =	sdelay $0x1  }
.Ltmp2:
0x7d: {  	v1 =	vld.idx.msk [tilespmem:v0+s23+$0x0], vm0;
	(pc) =	sbr.rel @p0 .LBB2_6-.Ltmp2, $3  }
0x7e: {  	_ = 	snop  }
0x7f: {  	vm0 =	vlt.s32 v2, $0xC300;
	v0 =	vmov v2;
	_ =	sdelay $0x1  }
0x80: {  	s8 =	sshra.s32 s7, $0x2;
	s7 =	sadd.s32 $0x40, s7  }
0x81: {  	v2 =	vld [tilespmem:s8+$0x0];
	_ =	sdelay $0x3  }
0x82: {  	[tilespmem:s5+$0x1A800] =	vst v1  }
0x83: {  	v0 =	vld.idx.msk [tilespmem:v0+s23+$0x0], vm0;
	vm0 =	vlt.s32 v2, $0xC300;
	_ =	sdelay $0x4  }
0x84: {  	[tilespmem:s6+$0x1A800] =	vst v0  }
0x85: {  	v0 =	vld.idx.msk [tilespmem:v2+s23+$0x0], vm0;
	_ =	sdelay $0x4  }
0x86: {  	[tilespmem:s8+$0x1A800] =	vst v0;
	s8 =	rddreg [dreg:$0xd]  }
0x87: {  	[tilespmem:s23], [sflag:$0x1] =	stream.strided.gather [hbm4b:s8+s0], $0xC300, s21, s0, $0x38;
	[tilespmem:$0x1B800] =	vst v63  }
0x88: {  	_ =	swait.ge [sflag:s2], $0xC400  }
0x89: {  	[sflag:s2] =	ssyncset.done $0x0  }
0x8a: {  	s6 =	simm.s32 $0x0;
	[sflag:s2] =	ssyncadd.s32 $0xFFFF3C00  }
0x8b: {  	v0 =	vld [tilespmem:s6+$0x0];
	_ =	sdelay $0x4  }
0x8c: {  	vm0 =	vgt.s32 v0, $0xC2FF  }
0x8d: {  	v0 =	vadd.s32 $0xFFFF3D00, v0  }
0x8e: {  	s5 =	simm.s32 $0x10  }
0x8f: {  	v1 =	vld [tilespmem:s5+$0x0];
	_ =	sdelay $0x1  }
0x90: {  	v2 =	vld [tilespmem:s6+$0x1A800]  }
0x91: {  	v0 =	vld.idx.msk [tilespmem:v0+s20+$0x0], vm0;
	_ =	sdelay $0x1  }
0x92: {  	vm1 =	vmmov vm0;
	vm0 =	vgt.s32 v1, $0xC2FF;
	v1 =	vadd.s32 $0xFFFF3D00, v1  }
0x93: {  	s7 =	simm.s32 $0x20;
	s8 =	simm.s32 $0xC0  }
.LBB2_8:
0x94: {  	p0 =	sne.s32 s8, $0x3FC0;
	v3 =	vld [tilespmem:s7+$0x0]  }
0x95: {  	v0 =	vsel vm1, v0, v2;
	vm1 =	vmmov vm0  }
0x96: {  	[tilespmem:s6+$0x1A800] =	vst v0;
	s6 =	smov.u32 s5;
	s5 =	smov.u32 s7  }
.Ltmp3:
0x97: {  	v0 =	vld.idx.msk [tilespmem:v1+s20+$0x0], vm0;
	(pc) =	sbr.rel @p0 .LBB2_8-.Ltmp3, $4  }
0x98: {  	v2 =	vld [tilespmem:s6+$0x1A800]  }
0x99: {  	vm0 =	vgt.s32 v3, $0xC2FF  }
0x9a: {  	v1 =	vadd.s32 $0xFFFF3D00, v3  }
0x9b: {  	s7 =	sshra.s32 s8, $0x2;
	s8 =	sadd.s32 $0x40, s8  }
0x9c: {  	_ =	sdelay $0x2  }
0x9d: {  	v3 =	vld [tilespmem:s7+$0x0];
	v0 =	vsel vm1, v0, v2  }
0x9e: {  	[tilespmem:s6+$0x1A800] =	vst v0  }
0x9f: {  	v0 =	vld.idx.msk [tilespmem:v1+s20+$0x0], vm0  }
0xa0: {  	v1 =	vld [tilespmem:s5+$0x1A800];
	_ =	sdelay $0x1  }
0xa1: {  	vm1 =	vgt.s32 v3, $0xC2FF  }
0xa2: {  	v2 =	vadd.s32 $0xFFFF3D00, v3  }
0xa3: {  	vm0 =	vmmov vm0  }
0xa4: {  	v0 =	vsel vm0, v0, v1  }
0xa5: {  	[tilespmem:s5+$0x1A800] =	vst v0  }
0xa6: {  	v1 =	vld [tilespmem:s7+$0x1A800]  }
0xa7: {  	v0 =	vld.idx.msk [tilespmem:v2+s20+$0x0], vm1;
	_ =	sdelay $0x3  }
0xa8: {  	vm0 =	vmmov vm1  }
0xa9: {  	v0 =	vsel vm0, v0, v1  }
0xaa: {  	s8 =	rddreg [dreg:$0xe];
	[tilespmem:s7+$0x1A800] =	vst v0  }
0xab: {  	[hbm4b:s8+s0] =	stream.strided.scatter [tilespmem:s3], [sflag:$0x3], $0x1000, s21, s0, $0x38;
	[tilespmem:$0x1B800] =	vst v63  }
0xac: {  	_ =	swait.ge [sflag:s31], $0x1000  }
0xad: {  	[sflag:s31] =	ssyncset.done $0x0  }
0xae: {  	[sflag:s31] =	ssyncadd.s32 $0xFFFFF000  }
0xaf: {  	[tilespmem:s20], [sflag:$0x2] =	stream.strided.gather [hbm4b:s9+s0], $0xC400, s21, s0, $0x38;
	[tilespmem:$0x1B800] =	vst v63  }
0xb0: {  	_ =	swait.ge [sflag:s1], $0xC300  }
0xb1: {  	[sflag:s1] =	ssyncset.done $0x0  }
0xb2: {  	s5 =	simm.s32 $0x0;
	[sflag:s1] =	ssyncadd.s32 $0xFFFF3D00  }
0xb3: {  	v1 =	vld [tilespmem:s5+$0x0];
	_ =	sdelay $0x4  }
0xb4: {  	vm0 =	vlt.s32 v1, $0xC300  }
0xb5: {  	s6 =	simm.s32 $0x10  }
0xb6: {  	v0 =	vld [tilespmem:s6+$0x0];
	_ =	sdelay $0x3  }
0xb7: {  	v1 =	vld.idx.msk [tilespmem:v1+s23+$0x0], vm0  }
0xb8: {  	vm0 =	vlt.s32 v0, $0xC300;
	_ =	sdelay $0x1  }
0xb9: {  	s7 =	simm.s32 $0xC0;
	s8 =	simm.s32 $0x20  }
.LBB2_10:
0xba: {  	p0 =	sne.s32 s7, $0x3FC0;
	v2 =	vld [tilespmem:s8+$0x0]  }
0xbb: {  	[tilespmem:s5+$0x1A800] =	vst v1;
	s5 =	smov.u32 s6;
	s6 =	smov.u32 s8;
	_ =	sdelay $0x1  }
.Ltmp4:
0xbc: {  	v1 =	vld.idx.msk [tilespmem:v0+s23+$0x0], vm0;
	(pc) =	sbr.rel @p0 .LBB2_10-.Ltmp4, $3  }
0xbd: {  	_ = 	snop  }
0xbe: {  	vm0 =	vlt.s32 v2, $0xC300;
	v0 =	vmov v2;
	_ =	sdelay $0x1  }
0xbf: {  	s8 =	sshra.s32 s7, $0x2;
	s7 =	sadd.s32 $0x40, s7  }
0xc0: {  	v2 =	vld [tilespmem:s8+$0x0];
	_ =	sdelay $0x3  }
0xc1: {  	[tilespmem:s5+$0x1A800] =	vst v1  }
0xc2: {  	v0 =	vld.idx.msk [tilespmem:v0+s23+$0x0], vm0;
	vm0 =	vlt.s32 v2, $0xC300;
	_ =	sdelay $0x4  }
0xc3: {  	[tilespmem:s6+$0x1A800] =	vst v0  }
0xc4: {  	v0 =	vld.idx.msk [tilespmem:v2+s23+$0x0], vm0;
	_ =	sdelay $0x4  }
0xc5: {  	[tilespmem:s8+$0x1A800] =	vst v0  }
0xc6: {  	[tilespmem:s23], [sflag:$0x1] =	stream.strided.gather [hbm4b:s10+s0], $0xC300, s21, s0, $0x38;
	[tilespmem:$0x1B800] =	vst v63  }
0xc7: {  	_ =	swait.ge [sflag:s2], $0xC400  }
0xc8: {  	[sflag:s2] =	ssyncset.done $0x0  }
0xc9: {  	s6 =	simm.s32 $0x0;
	[sflag:s2] =	ssyncadd.s32 $0xFFFF3C00  }
0xca: {  	v0 =	vld [tilespmem:s6+$0x0];
	_ =	sdelay $0x4  }
0xcb: {  	vm0 =	vgt.s32 v0, $0xC2FF  }
0xcc: {  	v0 =	vadd.s32 $0xFFFF3D00, v0  }
0xcd: {  	s5 =	simm.s32 $0x10  }
0xce: {  	v1 =	vld [tilespmem:s5+$0x0];
	_ =	sdelay $0x1  }
0xcf: {  	v2 =	vld [tilespmem:s6+$0x1A800]  }
0xd0: {  	v0 =	vld.idx.msk [tilespmem:v0+s20+$0x0], vm0;
	_ =	sdelay $0x1  }
0xd1: {  	vm1 =	vmmov vm0;
	vm0 =	vgt.s32 v1, $0xC2FF;
	v1 =	vadd.s32 $0xFFFF3D00, v1  }
0xd2: {  	s7 =	simm.s32 $0x20;
	s8 =	simm.s32 $0xC0  }
.LBB2_12:
0xd3: {  	p0 =	sne.s32 s8, $0x3FC0;
	v3 =	vld [tilespmem:s7+$0x0]  }
0xd4: {  	v0 =	vsel vm1, v0, v2;
	vm1 =	vmmov vm0  }
0xd5: {  	[tilespmem:s6+$0x1A800] =	vst v0;
	s6 =	smov.u32 s5;
	s5 =	smov.u32 s7  }
.Ltmp5:
0xd6: {  	v0 =	vld.idx.msk [tilespmem:v1+s20+$0x0], vm0;
	(pc) =	sbr.rel @p0 .LBB2_12-.Ltmp5, $4  }
0xd7: {  	v2 =	vld [tilespmem:s6+$0x1A800]  }
0xd8: {  	vm0 =	vgt.s32 v3, $0xC2FF  }
0xd9: {  	v1 =	vadd.s32 $0xFFFF3D00, v3  }
0xda: {  	s7 =	sshra.s32 s8, $0x2;
	s8 =	sadd.s32 $0x40, s8  }
0xdb: {  	_ =	sdelay $0x2  }
0xdc: {  	v3 =	vld [tilespmem:s7+$0x0];
	v0 =	vsel vm1, v0, v2  }
0xdd: {  	[tilespmem:s6+$0x1A800] =	vst v0  }
0xde: {  	v0 =	vld.idx.msk [tilespmem:v1+s20+$0x0], vm0  }
0xdf: {  	v1 =	vld [tilespmem:s5+$0x1A800];
	_ =	sdelay $0x1  }
0xe0: {  	vm1 =	vgt.s32 v3, $0xC2FF  }
0xe1: {  	v2 =	vadd.s32 $0xFFFF3D00, v3  }
0xe2: {  	vm0 =	vmmov vm0  }
0xe3: {  	v0 =	vsel vm0, v0, v1  }
0xe4: {  	[tilespmem:s5+$0x1A800] =	vst v0  }
0xe5: {  	v1 =	vld [tilespmem:s7+$0x1A800]  }
0xe6: {  	v0 =	vld.idx.msk [tilespmem:v2+s20+$0x0], vm1;
	_ =	sdelay $0x3  }
0xe7: {  	vm0 =	vmmov vm1  }
0xe8: {  	v0 =	vsel vm0, v0, v1  }
0xe9: {  	[tilespmem:s7+$0x1A800] =	vst v0  }
0xea: {  	[hbm4b:s26+s0] =	stream.strided.scatter [tilespmem:s3], [sflag:$0x3], $0x1000, s21, s0, $0x38;
	[tilespmem:$0x1B800] =	vst v63  }
0xeb: {  	_ =	swait.ge [sflag:s31], $0x1000  }
0xec: {  	[sflag:s31] =	ssyncset.done $0x0  }
0xed: {  	[sflag:s31] =	ssyncadd.s32 $0xFFFFF000  }
0xee: {  	[tilespmem:s20], [sflag:$0x2] =	stream.strided.gather [hbm4b:s12+s0], $0xC400, s21, s0, $0x38;
	[tilespmem:$0x1B800] =	vst v63  }
0xef: {  	_ =	swait.ge [sflag:s1], $0xC300  }
0xf0: {  	[sflag:s1] =	ssyncset.done $0x0  }
0xf1: {  	s5 =	simm.s32 $0x0;
	[sflag:s1] =	ssyncadd.s32 $0xFFFF3D00  }
0xf2: {  	v1 =	vld [tilespmem:s5+$0x0];
	_ =	sdelay $0x4  }
0xf3: {  	vm0 =	vlt.s32 v1, $0xC300  }
0xf4: {  	s6 =	simm.s32 $0x10  }
0xf5: {  	v0 =	vld [tilespmem:s6+$0x0];
	_ =	sdelay $0x3  }
0xf6: {  	v1 =	vld.idx.msk [tilespmem:v1+s23+$0x0], vm0  }
0xf7: {  	vm0 =	vlt.s32 v0, $0xC300;
	_ =	sdelay $0x1  }
0xf8: {  	s8 =	simm.s32 $0x20;
	s7 =	simm.s32 $0xC0  }
.LBB2_14:
0xf9: {  	p0 =	sne.s32 s7, $0x3FC0;
	v2 =	vld [tilespmem:s8+$0x0]  }
0xfa: {  	[tilespmem:s5+$0x1A800] =	vst v1;
	s5 =	smov.u32 s6;
	s6 =	smov.u32 s8;
	_ =	sdelay $0x1  }
.Ltmp6:
0xfb: {  	v1 =	vld.idx.msk [tilespmem:v0+s23+$0x0], vm0;
	(pc) =	sbr.rel @p0 .LBB2_14-.Ltmp6, $3  }
0xfc: {  	_ = 	snop  }
0xfd: {  	vm0 =	vlt.s32 v2, $0xC300;
	v0 =	vmov v2;
	_ =	sdelay $0x1  }
0xfe: {  	s8 =	sshra.s32 s7, $0x2;
	s7 =	sadd.s32 $0x40, s7  }
0xff: {  	v2 =	vld [tilespmem:s8+$0x0];
	_ =	sdelay $0x3  }
0x100: {  	[tilespmem:s5+$0x1A800] =	vst v1  }
0x101: {  	v0 =	vld.idx.msk [tilespmem:v0+s23+$0x0], vm0;
	vm0 =	vlt.s32 v2, $0xC300;
	_ =	sdelay $0x4  }
0x102: {  	[tilespmem:s6+$0x1A800] =	vst v0  }
0x103: {  	v0 =	vld.idx.msk [tilespmem:v2+s23+$0x0], vm0;
	_ =	sdelay $0x4  }
0x104: {  	[tilespmem:s8+$0x1A800] =	vst v0  }
0x105: {  	[tilespmem:s23], [sflag:$0x1] =	stream.strided.gather [hbm4b:s14+s0], $0xC300, s21, s0, $0x38;
	[tilespmem:$0x1B800] =	vst v63  }
0x106: {  	_ =	swait.ge [sflag:s2], $0xC400  }
0x107: {  	[sflag:s2] =	ssyncset.done $0x0  }
0x108: {  	s6 =	simm.s32 $0x0;
	[sflag:s2] =	ssyncadd.s32 $0xFFFF3C00  }
0x109: {  	v0 =	vld [tilespmem:s6+$0x0];
	_ =	sdelay $0x4  }
0x10a: {  	vm0 =	vgt.s32 v0, $0xC2FF  }
0x10b: {  	v0 =	vadd.s32 $0xFFFF3D00, v0  }
0x10c: {  	s5 =	simm.s32 $0x10  }
0x10d: {  	v1 =	vld [tilespmem:s5+$0x0];
	_ =	sdelay $0x1  }
0x10e: {  	v2 =	vld [tilespmem:s6+$0x1A800]  }
0x10f: {  	v0 =	vld.idx.msk [tilespmem:v0+s20+$0x0], vm0;
	_ =	sdelay $0x1  }
0x110: {  	vm1 =	vmmov vm0;
	vm0 =	vgt.s32 v1, $0xC2FF;
	v1 =	vadd.s32 $0xFFFF3D00, v1  }
0x111: {  	s7 =	simm.s32 $0x20;
	s8 =	simm.s32 $0xC0  }
.LBB2_16:
0x112: {  	p0 =	sne.s32 s8, $0x3FC0;
	v3 =	vld [tilespmem:s7+$0x0]  }
0x113: {  	v0 =	vsel vm1, v0, v2;
	vm1 =	vmmov vm0  }
0x114: {  	[tilespmem:s6+$0x1A800] =	vst v0;
	s6 =	smov.u32 s5;
	s5 =	smov.u32 s7  }
.Ltmp7:
0x115: {  	v0 =	vld.idx.msk [tilespmem:v1+s20+$0x0], vm0;
	(pc) =	sbr.rel @p0 .LBB2_16-.Ltmp7, $4  }
0x116: {  	v2 =	vld [tilespmem:s6+$0x1A800]  }
0x117: {  	vm0 =	vgt.s32 v3, $0xC2FF  }
0x118: {  	v1 =	vadd.s32 $0xFFFF3D00, v3  }
0x119: {  	s7 =	sshra.s32 s8, $0x2;
	s8 =	sadd.s32 $0x40, s8  }
0x11a: {  	_ =	sdelay $0x2  }
0x11b: {  	v3 =	vld [tilespmem:s7+$0x0];
	v0 =	vsel vm1, v0, v2  }
0x11c: {  	[tilespmem:s6+$0x1A800] =	vst v0  }
0x11d: {  	v0 =	vld.idx.msk [tilespmem:v1+s20+$0x0], vm0  }
0x11e: {  	v1 =	vld [tilespmem:s5+$0x1A800];
	_ =	sdelay $0x1  }
0x11f: {  	vm1 =	vgt.s32 v3, $0xC2FF  }
0x120: {  	v2 =	vadd.s32 $0xFFFF3D00, v3  }
0x121: {  	vm0 =	vmmov vm0  }
0x122: {  	v0 =	vsel vm0, v0, v1  }
0x123: {  	[tilespmem:s5+$0x1A800] =	vst v0  }
0x124: {  	v1 =	vld [tilespmem:s7+$0x1A800]  }
0x125: {  	v0 =	vld.idx.msk [tilespmem:v2+s20+$0x0], vm1;
	_ =	sdelay $0x3  }
0x126: {  	vm0 =	vmmov vm1  }
0x127: {  	v0 =	vsel vm0, v0, v1  }
0x128: {  	[tilespmem:s7+$0x1A800] =	vst v0  }
0x129: {  	[hbm4b:s11+s0] =	stream.strided.scatter [tilespmem:s3], [sflag:$0x3], $0x1000, s21, s0, $0x38;
	[tilespmem:$0x1B800] =	vst v63  }
0x12a: {  	_ =	swait.ge [sflag:s31], $0x1000  }
0x12b: {  	[sflag:s31] =	ssyncset.done $0x0  }
0x12c: {  	[sflag:s31] =	ssyncadd.s32 $0xFFFFF000  }
0x12d: {  	[tilespmem:s20], [sflag:$0x2] =	stream.strided.gather [hbm4b:s15+s0], $0xC400, s21, s0, $0x38;
	[tilespmem:$0x1B800] =	vst v63  }
0x12e: {  	_ =	swait.ge [sflag:s1], $0xC300  }
0x12f: {  	[sflag:s1] =	ssyncset.done $0x0  }
0x130: {  	s5 =	simm.s32 $0x0;
	[sflag:s1] =	ssyncadd.s32 $0xFFFF3D00  }
0x131: {  	v1 =	vld [tilespmem:s5+$0x1000];
	_ =	sdelay $0x4  }
0x132: {  	vm0 =	vlt.s32 v1, $0xC300  }
0x133: {  	s6 =	simm.s32 $0x10  }
0x134: {  	v0 =	vld [tilespmem:s6+$0x1000];
	_ =	sdelay $0x3  }
0x135: {  	v1 =	vld.idx.msk [tilespmem:v1+s23+$0x0], vm0  }
0x136: {  	vm0 =	vlt.s32 v0, $0xC300;
	_ =	sdelay $0x1  }
0x137: {  	s8 =	simm.s32 $0x20;
	s7 =	simm.s32 $0xC0  }
.LBB2_18:
0x138: {  	p0 =	sne.s32 s7, $0x3FC0;
	v2 =	vld [tilespmem:s8+$0x1000]  }
0x139: {  	[tilespmem:s5+$0x1A800] =	vst v1;
	s5 =	smov.u32 s6;
	s6 =	smov.u32 s8;
	_ =	sdelay $0x1  }
.Ltmp8:
0x13a: {  	v1 =	vld.idx.msk [tilespmem:v0+s23+$0x0], vm0;
	(pc) =	sbr.rel @p0 .LBB2_18-.Ltmp8, $3  }
0x13b: {  	_ = 	snop  }
0x13c: {  	vm0 =	vlt.s32 v2, $0xC300;
	v0 =	vmov v2;
	_ =	sdelay $0x1  }
0x13d: {  	s8 =	sshra.s32 s7, $0x2;
	s7 =	sadd.s32 $0x40, s7  }
0x13e: {  	v2 =	vld [tilespmem:s8+$0x1000];
	_ =	sdelay $0x3  }
0x13f: {  	[tilespmem:s5+$0x1A800] =	vst v1  }
0x140: {  	v0 =	vld.idx.msk [tilespmem:v0+s23+$0x0], vm0;
	vm0 =	vlt.s32 v2, $0xC300;
	_ =	sdelay $0x4  }
0x141: {  	[tilespmem:s6+$0x1A800] =	vst v0  }
0x142: {  	v0 =	vld.idx.msk [tilespmem:v2+s23+$0x0], vm0;
	_ =	sdelay $0x4  }
0x143: {  	[tilespmem:s8+$0x1A800] =	vst v0  }
0x144: {  	[tilespmem:s23], [sflag:$0x1] =	stream.strided.gather [hbm4b:s16+s0], $0xC300, s21, s0, $0x38;
	[tilespmem:$0x1B800] =	vst v63  }
0x145: {  	_ =	swait.ge [sflag:s2], $0xC400  }
0x146: {  	[sflag:s2] =	ssyncset.done $0x0  }
0x147: {  	s6 =	simm.s32 $0x0;
	[sflag:s2] =	ssyncadd.s32 $0xFFFF3C00  }
0x148: {  	v0 =	vld [tilespmem:s6+$0x1000];
	_ =	sdelay $0x4  }
0x149: {  	vm0 =	vgt.s32 v0, $0xC2FF  }
0x14a: {  	v0 =	vadd.s32 $0xFFFF3D00, v0  }
0x14b: {  	s5 =	simm.s32 $0x10  }
0x14c: {  	v1 =	vld [tilespmem:s5+$0x1000];
	_ =	sdelay $0x1  }
0x14d: {  	v2 =	vld [tilespmem:s6+$0x1A800]  }
0x14e: {  	v0 =	vld.idx.msk [tilespmem:v0+s20+$0x0], vm0;
	_ =	sdelay $0x1  }
0x14f: {  	vm1 =	vmmov vm0;
	vm0 =	vgt.s32 v1, $0xC2FF;
	v1 =	vadd.s32 $0xFFFF3D00, v1  }
0x150: {  	s7 =	simm.s32 $0x20;
	s8 =	simm.s32 $0xC0  }
.LBB2_20:
0x151: {  	p0 =	sne.s32 s8, $0x3FC0;
	v3 =	vld [tilespmem:s7+$0x1000]  }
0x152: {  	v0 =	vsel vm1, v0, v2;
	vm1 =	vmmov vm0  }
0x153: {  	[tilespmem:s6+$0x1A800] =	vst v0;
	s6 =	smov.u32 s5;
	s5 =	smov.u32 s7  }
.Ltmp9:
0x154: {  	v0 =	vld.idx.msk [tilespmem:v1+s20+$0x0], vm0;
	(pc) =	sbr.rel @p0 .LBB2_20-.Ltmp9, $4  }
0x155: {  	v2 =	vld [tilespmem:s6+$0x1A800]  }
0x156: {  	vm0 =	vgt.s32 v3, $0xC2FF  }
0x157: {  	v1 =	vadd.s32 $0xFFFF3D00, v3  }
0x158: {  	s7 =	sshra.s32 s8, $0x2;
	s8 =	sadd.s32 $0x40, s8  }
0x159: {  	_ =	sdelay $0x2  }
0x15a: {  	v3 =	vld [tilespmem:s7+$0x1000];
	v0 =	vsel vm1, v0, v2  }
0x15b: {  	[tilespmem:s6+$0x1A800] =	vst v0  }
0x15c: {  	v0 =	vld.idx.msk [tilespmem:v1+s20+$0x0], vm0  }
0x15d: {  	v1 =	vld [tilespmem:s5+$0x1A800];
	_ =	sdelay $0x1  }
0x15e: {  	vm1 =	vgt.s32 v3, $0xC2FF  }
0x15f: {  	v2 =	vadd.s32 $0xFFFF3D00, v3  }
0x160: {  	vm0 =	vmmov vm0  }
0x161: {  	v0 =	vsel vm0, v0, v1  }
0x162: {  	[tilespmem:s5+$0x1A800] =	vst v0  }
0x163: {  	v1 =	vld [tilespmem:s7+$0x1A800]  }
0x164: {  	v0 =	vld.idx.msk [tilespmem:v2+s20+$0x0], vm1;
	_ =	sdelay $0x3  }
0x165: {  	vm0 =	vmmov vm1  }
0x166: {  	v0 =	vsel vm0, v0, v1  }
0x167: {  	[tilespmem:s7+$0x1A800] =	vst v0  }
0x168: {  	[hbm4b:s28+s0] =	stream.strided.scatter [tilespmem:s3], [sflag:$0x3], $0x1000, s21, s0, $0x38;
	[tilespmem:$0x1B800] =	vst v63  }
0x169: {  	_ =	swait.ge [sflag:s31], $0x1000  }
0x16a: {  	[sflag:s31] =	ssyncset.done $0x0  }
0x16b: {  	[sflag:s31] =	ssyncadd.s32 $0xFFFFF000  }
0x16c: {  	[tilespmem:s20], [sflag:$0x2] =	stream.strided.gather [hbm4b:s17+s0], $0xC400, s21, s0, $0x38;
	[tilespmem:$0x1B800] =	vst v63  }
0x16d: {  	_ =	swait.ge [sflag:s1], $0xC300  }
0x16e: {  	[sflag:s1] =	ssyncset.done $0x0  }
0x16f: {  	s5 =	simm.s32 $0x0;
	[sflag:s1] =	ssyncadd.s32 $0xFFFF3D00  }
0x170: {  	v1 =	vld [tilespmem:s5+$0x1000];
	_ =	sdelay $0x4  }
0x171: {  	vm0 =	vlt.s32 v1, $0xC300  }
0x172: {  	s6 =	simm.s32 $0x10  }
0x173: {  	v0 =	vld [tilespmem:s6+$0x1000];
	_ =	sdelay $0x3  }
0x174: {  	v1 =	vld.idx.msk [tilespmem:v1+s23+$0x0], vm0  }
0x175: {  	vm0 =	vlt.s32 v0, $0xC300;
	_ =	sdelay $0x1  }
0x176: {  	s8 =	simm.s32 $0x20;
	s7 =	simm.s32 $0xC0  }
.LBB2_22:
0x177: {  	p0 =	sne.s32 s7, $0x3FC0;
	v2 =	vld [tilespmem:s8+$0x1000]  }
0x178: {  	[tilespmem:s5+$0x1A800] =	vst v1;
	s5 =	smov.u32 s6;
	s6 =	smov.u32 s8;
	_ =	sdelay $0x1  }
.Ltmp10:
0x179: {  	v1 =	vld.idx.msk [tilespmem:v0+s23+$0x0], vm0;
	(pc) =	sbr.rel @p0 .LBB2_22-.Ltmp10, $3  }
0x17a: {  	_ = 	snop  }
0x17b: {  	vm0 =	vlt.s32 v2, $0xC300;
	v0 =	vmov v2;
	_ =	sdelay $0x1  }
0x17c: {  	s8 =	sshra.s32 s7, $0x2;
	s7 =	sadd.s32 $0x40, s7  }
0x17d: {  	v2 =	vld [tilespmem:s8+$0x1000];
	_ =	sdelay $0x3  }
0x17e: {  	[tilespmem:s5+$0x1A800] =	vst v1  }
0x17f: {  	v0 =	vld.idx.msk [tilespmem:v0+s23+$0x0], vm0;
	vm0 =	vlt.s32 v2, $0xC300;
	_ =	sdelay $0x4  }
0x180: {  	[tilespmem:s6+$0x1A800] =	vst v0  }
0x181: {  	v0 =	vld.idx.msk [tilespmem:v2+s23+$0x0], vm0;
	_ =	sdelay $0x4  }
0x182: {  	[tilespmem:s8+$0x1A800] =	vst v0  }
0x183: {  	[tilespmem:s23], [sflag:$0x1] =	stream.strided.gather [hbm4b:s18+s0], $0xC300, s21, s0, $0x38;
	[tilespmem:$0x1B800] =	vst v63  }
0x184: {  	_ =	swait.ge [sflag:s2], $0xC400  }
0x185: {  	[sflag:s2] =	ssyncset.done $0x0  }
0x186: {  	s6 =	simm.s32 $0x0;
	[sflag:s2] =	ssyncadd.s32 $0xFFFF3C00  }
0x187: {  	v0 =	vld [tilespmem:s6+$0x1000];
	_ =	sdelay $0x4  }
0x188: {  	vm0 =	vgt.s32 v0, $0xC2FF  }
0x189: {  	v0 =	vadd.s32 $0xFFFF3D00, v0  }
0x18a: {  	s5 =	simm.s32 $0x10  }
0x18b: {  	v1 =	vld [tilespmem:s5+$0x1000];
	_ =	sdelay $0x1  }
0x18c: {  	v2 =	vld [tilespmem:s6+$0x1A800]  }
0x18d: {  	v0 =	vld.idx.msk [tilespmem:v0+s20+$0x0], vm0;
	_ =	sdelay $0x1  }
0x18e: {  	vm1 =	vmmov vm0;
	vm0 =	vgt.s32 v1, $0xC2FF;
	v1 =	vadd.s32 $0xFFFF3D00, v1  }
0x18f: {  	s7 =	simm.s32 $0x20;
	s8 =	simm.s32 $0xC0  }
.LBB2_24:
0x190: {  	p0 =	sne.s32 s8, $0x3FC0;
	v3 =	vld [tilespmem:s7+$0x1000]  }
0x191: {  	v0 =	vsel vm1, v0, v2;
	vm1 =	vmmov vm0  }
0x192: {  	[tilespmem:s6+$0x1A800] =	vst v0;
	s6 =	smov.u32 s5;
	s5 =	smov.u32 s7  }
.Ltmp11:
0x193: {  	v0 =	vld.idx.msk [tilespmem:v1+s20+$0x0], vm0;
	(pc) =	sbr.rel @p0 .LBB2_24-.Ltmp11, $4  }
0x194: {  	v2 =	vld [tilespmem:s6+$0x1A800]  }
0x195: {  	vm0 =	vgt.s32 v3, $0xC2FF  }
0x196: {  	v1 =	vadd.s32 $0xFFFF3D00, v3  }
0x197: {  	s7 =	sshra.s32 s8, $0x2;
	s8 =	sadd.s32 $0x40, s8  }
0x198: {  	_ =	sdelay $0x2  }
0x199: {  	v3 =	vld [tilespmem:s7+$0x1000];
	v0 =	vsel vm1, v0, v2  }
0x19a: {  	[tilespmem:s6+$0x1A800] =	vst v0  }
0x19b: {  	v0 =	vld.idx.msk [tilespmem:v1+s20+$0x0], vm0  }
0x19c: {  	v1 =	vld [tilespmem:s5+$0x1A800];
	_ =	sdelay $0x1  }
0x19d: {  	vm1 =	vgt.s32 v3, $0xC2FF  }
0x19e: {  	v2 =	vadd.s32 $0xFFFF3D00, v3  }
0x19f: {  	vm0 =	vmmov vm0  }
0x1a0: {  	v0 =	vsel vm0, v0, v1  }
0x1a1: {  	[tilespmem:s5+$0x1A800] =	vst v0  }
0x1a2: {  	v1 =	vld [tilespmem:s7+$0x1A800]  }
0x1a3: {  	v0 =	vld.idx.msk [tilespmem:v2+s20+$0x0], vm1;
	_ =	sdelay $0x3  }
0x1a4: {  	vm0 =	vmmov vm1  }
0x1a5: {  	v0 =	vsel vm0, v0, v1  }
0x1a6: {  	[tilespmem:s7+$0x1A800] =	vst v0  }
0x1a7: {  	[hbm4b:s13+s0] =	stream.strided.scatter [tilespmem:s3], [sflag:$0x3], $0x1000, s21, s0, $0x38;
	[tilespmem:$0x1B800] =	vst v63  }
0x1a8: {  	_ =	swait.ge [sflag:s31], $0x1000  }
0x1a9: {  	[sflag:s31] =	ssyncset.done $0x0  }
0x1aa: {  	[sflag:s31] =	ssyncadd.s32 $0xFFFFF000  }
0x1ab: {  	[tilespmem:s20], [sflag:$0x2] =	stream.strided.gather [hbm4b:s19+s0], $0xC400, s21, s0, $0x38;
	[tilespmem:$0x1B800] =	vst v63  }
0x1ac: {  	_ =	swait.ge [sflag:s1], $0xC300  }
0x1ad: {  	[sflag:s1] =	ssyncset.done $0x0  }
0x1ae: {  	s5 =	simm.s32 $0x0;
	[sflag:s1] =	ssyncadd.s32 $0xFFFF3D00  }
0x1af: {  	v1 =	vld [tilespmem:s5+$0x1000];
	_ =	sdelay $0x4  }
0x1b0: {  	vm0 =	vlt.s32 v1, $0xC300  }
0x1b1: {  	s6 =	simm.s32 $0x10  }
0x1b2: {  	v0 =	vld [tilespmem:s6+$0x1000];
	_ =	sdelay $0x3  }
0x1b3: {  	v1 =	vld.idx.msk [tilespmem:v1+s23+$0x0], vm0  }
0x1b4: {  	vm0 =	vlt.s32 v0, $0xC300;
	_ =	sdelay $0x1  }
0x1b5: {  	s8 =	simm.s32 $0x20;
	s7 =	simm.s32 $0xC0  }
.LBB2_26:
0x1b6: {  	p0 =	sne.s32 s7, $0x3FC0;
	v2 =	vld [tilespmem:s8+$0x1000]  }
0x1b7: {  	[tilespmem:s5+$0x1A800] =	vst v1;
	s5 =	smov.u32 s6;
	s6 =	smov.u32 s8;
	_ =	sdelay $0x1  }
.Ltmp12:
0x1b8: {  	v1 =	vld.idx.msk [tilespmem:v0+s23+$0x0], vm0;
	(pc) =	sbr.rel @p0 .LBB2_26-.Ltmp12, $3  }
0x1b9: {  	_ = 	snop  }
0x1ba: {  	vm0 =	vlt.s32 v2, $0xC300;
	v0 =	vmov v2;
	_ =	sdelay $0x1  }
0x1bb: {  	s8 =	sshra.s32 s7, $0x2;
	s7 =	sadd.s32 $0x40, s7  }
0x1bc: {  	v2 =	vld [tilespmem:s8+$0x1000];
	_ =	sdelay $0x3  }
0x1bd: {  	[tilespmem:s5+$0x1A800] =	vst v1  }
0x1be: {  	v0 =	vld.idx.msk [tilespmem:v0+s23+$0x0], vm0;
	vm0 =	vlt.s32 v2, $0xC300;
	_ =	sdelay $0x4  }
0x1bf: {  	[tilespmem:s6+$0x1A800] =	vst v0  }
0x1c0: {  	v0 =	vld.idx.msk [tilespmem:v2+s23+$0x0], vm0;
	_ =	sdelay $0x4  }
0x1c1: {  	[tilespmem:s8+$0x1A800] =	vst v0  }
0x1c2: {  	[tilespmem:s23], [sflag:$0x1] =	stream.strided.gather [hbm4b:s22+s0], $0xC300, s21, s0, $0x38;
	[tilespmem:$0x1B800] =	vst v63  }
0x1c3: {  	_ =	swait.ge [sflag:s2], $0xC400  }
0x1c4: {  	[sflag:s2] =	ssyncset.done $0x0  }
0x1c5: {  	s6 =	simm.s32 $0x0;
	[sflag:s2] =	ssyncadd.s32 $0xFFFF3C00  }
0x1c6: {  	v0 =	vld [tilespmem:s6+$0x1000];
	_ =	sdelay $0x4  }
0x1c7: {  	vm0 =	vgt.s32 v0, $0xC2FF  }
0x1c8: {  	v0 =	vadd.s32 $0xFFFF3D00, v0  }
0x1c9: {  	s5 =	simm.s32 $0x10  }
0x1ca: {  	v1 =	vld [tilespmem:s5+$0x1000];
	_ =	sdelay $0x1  }
0x1cb: {  	v2 =	vld [tilespmem:s6+$0x1A800]  }
0x1cc: {  	v0 =	vld.idx.msk [tilespmem:v0+s20+$0x0], vm0;
	_ =	sdelay $0x1  }
0x1cd: {  	vm1 =	vmmov vm0;
	vm0 =	vgt.s32 v1, $0xC2FF;
	v1 =	vadd.s32 $0xFFFF3D00, v1  }
0x1ce: {  	s7 =	simm.s32 $0x20;
	s8 =	simm.s32 $0xC0  }
.LBB2_28:
0x1cf: {  	p0 =	sne.s32 s8, $0x3FC0;
	v3 =	vld [tilespmem:s7+$0x1000]  }
0x1d0: {  	v0 =	vsel vm1, v0, v2;
	vm1 =	vmmov vm0  }
0x1d1: {  	[tilespmem:s6+$0x1A800] =	vst v0;
	s6 =	smov.u32 s5;
	s5 =	smov.u32 s7  }
.Ltmp13:
0x1d2: {  	v0 =	vld.idx.msk [tilespmem:v1+s20+$0x0], vm0;
	(pc) =	sbr.rel @p0 .LBB2_28-.Ltmp13, $4  }
0x1d3: {  	v2 =	vld [tilespmem:s6+$0x1A800]  }
0x1d4: {  	vm0 =	vgt.s32 v3, $0xC2FF  }
0x1d5: {  	v1 =	vadd.s32 $0xFFFF3D00, v3  }
0x1d6: {  	s7 =	sshra.s32 s8, $0x2;
	s8 =	sadd.s32 $0x40, s8  }
0x1d7: {  	_ =	sdelay $0x2  }
0x1d8: {  	v3 =	vld [tilespmem:s7+$0x1000];
	v0 =	vsel vm1, v0, v2  }
0x1d9: {  	[tilespmem:s6+$0x1A800] =	vst v0  }
0x1da: {  	v0 =	vld.idx.msk [tilespmem:v1+s20+$0x0], vm0  }
0x1db: {  	v1 =	vld [tilespmem:s5+$0x1A800];
	_ =	sdelay $0x1  }
0x1dc: {  	vm1 =	vgt.s32 v3, $0xC2FF  }
0x1dd: {  	v2 =	vadd.s32 $0xFFFF3D00, v3  }
0x1de: {  	vm0 =	vmmov vm0  }
0x1df: {  	v0 =	vsel vm0, v0, v1  }
0x1e0: {  	[tilespmem:s5+$0x1A800] =	vst v0  }
0x1e1: {  	v1 =	vld [tilespmem:s7+$0x1A800]  }
0x1e2: {  	v0 =	vld.idx.msk [tilespmem:v2+s20+$0x0], vm1;
	_ =	sdelay $0x3  }
0x1e3: {  	vm0 =	vmmov vm1  }
0x1e4: {  	v0 =	vsel vm0, v0, v1  }
0x1e5: {  	[tilespmem:s7+$0x1A800] =	vst v0  }
0x1e6: {  	[hbm4b:s29+s0] =	stream.strided.scatter [tilespmem:s3], [sflag:$0x3], $0x1000, s21, s0, $0x38;
	[tilespmem:$0x1B800] =	vst v63  }
0x1e7: {  	_ =	swait.ge [sflag:s31], $0x1000  }
0x1e8: {  	[sflag:s31] =	ssyncset.done $0x0  }
0x1e9: {  	[sflag:s31] =	ssyncadd.s32 $0xFFFFF000  }
0x1ea: {  	[tilespmem:s20], [sflag:$0x2] =	stream.strided.gather [hbm4b:s24+s0], $0xC400, s21, s0, $0x38;
	[tilespmem:$0x1B800] =	vst v63  }
0x1eb: {  	_ =	swait.ge [sflag:s1], $0xC300  }
0x1ec: {  	[sflag:s1] =	ssyncset.done $0x0  }
0x1ed: {  	s5 =	simm.s32 $0x0;
	[sflag:s1] =	ssyncadd.s32 $0xFFFF3D00  }
0x1ee: {  	v1 =	vld [tilespmem:s5+$0x1000];
	_ =	sdelay $0x4  }
0x1ef: {  	vm0 =	vlt.s32 v1, $0xC300  }
0x1f0: {  	s6 =	simm.s32 $0x10  }
0x1f1: {  	v0 =	vld [tilespmem:s6+$0x1000];
	_ =	sdelay $0x3  }
0x1f2: {  	v1 =	vld.idx.msk [tilespmem:v1+s23+$0x0], vm0  }
0x1f3: {  	vm0 =	vlt.s32 v0, $0xC300;
	_ =	sdelay $0x1  }
0x1f4: {  	s8 =	simm.s32 $0x20;
	s7 =	simm.s32 $0xC0  }
.LBB2_30:
0x1f5: {  	p0 =	sne.s32 s7, $0x3FC0;
	v2 =	vld [tilespmem:s8+$0x1000]  }
0x1f6: {  	[tilespmem:s5+$0x1A800] =	vst v1;
	s5 =	smov.u32 s6;
	s6 =	smov.u32 s8;
	_ =	sdelay $0x1  }
.Ltmp14:
0x1f7: {  	v1 =	vld.idx.msk [tilespmem:v0+s23+$0x0], vm0;
	(pc) =	sbr.rel @p0 .LBB2_30-.Ltmp14, $3  }
0x1f8: {  	_ = 	snop  }
0x1f9: {  	vm0 =	vlt.s32 v2, $0xC300;
	v0 =	vmov v2;
	_ =	sdelay $0x1  }
0x1fa: {  	s8 =	sshra.s32 s7, $0x2;
	s7 =	sadd.s32 $0x40, s7  }
0x1fb: {  	v2 =	vld [tilespmem:s8+$0x1000];
	_ =	sdelay $0x3  }
0x1fc: {  	[tilespmem:s5+$0x1A800] =	vst v1  }
0x1fd: {  	v0 =	vld.idx.msk [tilespmem:v0+s23+$0x0], vm0;
	vm0 =	vlt.s32 v2, $0xC300;
	_ =	sdelay $0x4  }
0x1fe: {  	[tilespmem:s6+$0x1A800] =	vst v0  }
0x1ff: {  	v0 =	vld.idx.msk [tilespmem:v2+s23+$0x0], vm0;
	_ =	sdelay $0x4  }
0x200: {  	[tilespmem:s8+$0x1A800] =	vst v0  }
0x201: {  	_ =	swait.ge [sflag:s2], $0xC400  }
0x202: {  	[sflag:s2] =	ssyncset.done $0x0  }
0x203: {  	s6 =	simm.s32 $0x0;
	[sflag:s2] =	ssyncadd.s32 $0xFFFF3C00  }
0x204: {  	v0 =	vld [tilespmem:s6+$0x1000];
	_ =	sdelay $0x4  }
0x205: {  	vm0 =	vgt.s32 v0, $0xC2FF  }
0x206: {  	v0 =	vadd.s32 $0xFFFF3D00, v0  }
0x207: {  	s5 =	simm.s32 $0x10  }
0x208: {  	v1 =	vld [tilespmem:s5+$0x1000];
	_ =	sdelay $0x1  }
0x209: {  	v2 =	vld [tilespmem:s6+$0x1A800]  }
0x20a: {  	v0 =	vld.idx.msk [tilespmem:v0+s20+$0x0], vm0;
	_ =	sdelay $0x1  }
0x20b: {  	vm1 =	vmmov vm0;
	vm0 =	vgt.s32 v1, $0xC2FF;
	v1 =	vadd.s32 $0xFFFF3D00, v1  }
0x20c: {  	s7 =	simm.s32 $0x20;
	s8 =	simm.s32 $0xC0  }
.LBB2_32:
0x20d: {  	p0 =	sne.s32 s8, $0x3FC0;
	v3 =	vld [tilespmem:s7+$0x1000]  }
0x20e: {  	v0 =	vsel vm1, v0, v2;
	vm1 =	vmmov vm0  }
0x20f: {  	[tilespmem:s6+$0x1A800] =	vst v0;
	s6 =	smov.u32 s5;
	s5 =	smov.u32 s7  }
.Ltmp15:
0x210: {  	v0 =	vld.idx.msk [tilespmem:v1+s20+$0x0], vm0;
	(pc) =	sbr.rel @p0 .LBB2_32-.Ltmp15, $4  }
0x211: {  	v2 =	vld [tilespmem:s6+$0x1A800]  }
0x212: {  	vm0 =	vgt.s32 v3, $0xC2FF  }
0x213: {  	v1 =	vadd.s32 $0xFFFF3D00, v3  }
0x214: {  	s7 =	sshra.s32 s8, $0x2;
	s8 =	sadd.s32 $0x40, s8  }
0x215: {  	_ =	sdelay $0x2  }
0x216: {  	v3 =	vld [tilespmem:s7+$0x1000];
	v0 =	vsel vm1, v0, v2  }
0x217: {  	[tilespmem:s6+$0x1A800] =	vst v0  }
0x218: {  	v0 =	vld.idx.msk [tilespmem:v1+s20+$0x0], vm0  }
0x219: {  	v61 =	vld [tilespmem:s5+$0x1A800];
	_ =	sdelay $0x1  }
0x21a: {  	vm13 =	vgt.s32 v3, $0xC2FF  }
0x21b: {  	v62 =	vadd.s32 $0xFFFF3D00, v3  }
0x21c: {  	vm14 =	vmmov vm0  }
0x21d: {  	v0 =	vsel vm14, v0, v61  }
0x21e: {  	[tilespmem:s5+$0x1A800] =	vst v0  }
0x21f: {  	v63 =	vld [tilespmem:s7+$0x1A800]  }
0x220: {  	v0 =	vld.idx.msk [tilespmem:v62+s20+$0x0], vm13;
	_ =	sdelay $0x3  }
0x221: {  	s4 =	sadd.s32 $0x1, s4;
	vm15 =	vmmov vm13  }
0x222: {  	p0 =	sne.s32 s4, s30;
	v0 =	vsel vm15, v0, v63  }
.Ltmp16:
0x223: {  	[tilespmem:s7+$0x1A800] =	vst v0;
	(pc) =	sbr.rel @p0 .LBB2_1-.Ltmp16, $4  }
0x224: {  	[hbm4b:s25+s0] =	stream.strided.scatter [tilespmem:s3], [sflag:$0x3], $0x1000, s21, s0, $0x38;
	[tilespmem:$0x1B800] =	vst v63  }
0x225: {  	_ =	swait.ge [sflag:s31], $0x1000  }
0x226: {  	[sflag:s31] =	ssyncset.done $0x0  }
0x227: {  	[sflag:s31] =	ssyncadd.s32 $0xFFFFF000  }
0x228: {  	_ =	sfence.sel $0x180000  }
0x229: {  	[bflag:$0x0] =	sbarrier.arrive $0xFFFF  }
0x22a: {  	_ =	strace $0x90000047  }
0x22b: {  	s0 =	stileid.u32;
	[bflag:$0x2] =	sbarrier.arrive $0xFFFF  }
0x22c: {  	p0 =	sne.s32 s0, $0x0;
	s0 =	rddreg [dreg:$0x7]  }
0x22d: {  	s0 =	sadd.s32 @!p0 $0x100000, s0  }
0x22e: {  	[sflag:s0] =	ssyncadd.tile.s32 @!p0 $0x1;
	_ =	shalt  }
.Lfunc_end2:
_tile_overlayer_lowered:
.L_overlay_start_2:
0x22f: {  	(tag) =	ssettag $0x2  }
0x230: {  	s0 =	rddreg [dreg:$0x0];
	s2 =	stileid.u32  }
0x231: {  	s1 =	rddreg [dreg:$0x1];
	p0 =	sne.s32 s2, $0x0  }
0x232: {  	s3 =	rddreg [dreg:$0x2];
	[bflag:$0x3] =	sbarrier.arrive $0xFFFF;
	s2 =	simm.s32 @!p0 $0x1C03  }
0x233: {  	[timem:s3], [sflag:s2] =	dma.local @!p0 [hbm:s0], s1  }
0x234: {  	s0 =	simm.s32 @!p0 $0x3  }
0x235: {  	_ =	swait.ge @!p0 [sflag:s0], s1  }
0x236: {  	s1 =	ssub.s32 @!p0 $0x0, s1;
	[sflag:s0] =	ssyncset.done @!p0 $0x0  }
0x237: {  	[sflag:s0] =	ssyncadd.s32 @!p0 s1  }
0x238: {  	[bflag:$0x3] =	sbarrier.arrive $0xFFFF  }
0x239: {  	_ =	shalt  }

</sc_bundles>
